<compile_context>
chip_gen: v7x
topology: tpu7x:2x2x1
jax: 0.10.2.dev20260603
libtpu: 0.0.44.dev20260713+nightly
codegen_flags: <defaults>
</compile_context>

<pallas_src>
import functools
import math

import numpy as np
import jax
import jax.numpy as jnp
from jax import lax
from jax.experimental import pallas as pl
from jax.experimental.pallas import tpu as pltpu
from jax.experimental.pallas import tpu_sc as plsc

EMBED_DIMS = 32
_HALF = EMBED_DIMS // 2



def _make_sc_scatter(B: int, L: int, P: int):
    info = plsc.get_sparse_core_info()
    NW = info.num_cores * info.num_subcores
    assert B % NW == 0
    rows_w = B // NW
    blk_len = rows_w * L
    pk_w = rows_w * P
    assert pk_w % 16 == 0 and pk_w % 8 == 0 and blk_len % 8 == 0
    n_vec = pk_w // 16

    mesh = plsc.VectorSubcoreMesh(core_axis_name="c", subcore_axis_name="s")

    @functools.partial(
        pl.kernel,
        out_type=jax.ShapeDtypeStruct((B * L,), jnp.float32),
        mesh=mesh,
        compiler_params=pltpu.CompilerParams(needs_layout_passes=False),
        scratch_types=[
            pltpu.VMEM((blk_len,), jnp.float32),
            pltpu.VMEM((pk_w,), jnp.int32),
            pltpu.VMEM((pk_w,), jnp.int32),
        ],
    )
    def sc_scatter(peaks_hbm, rowoff_hbm, out_hbm, blk, pk, ro):
        wid = lax.axis_index("s") * info.num_cores + lax.axis_index("c")

        pltpu.sync_copy(peaks_hbm.at[pl.ds(wid * pk_w, pk_w)], pk)
        pltpu.sync_copy(rowoff_hbm.at[pl.ds(wid * pk_w, pk_w)], ro)

        z16 = jnp.zeros((16,), jnp.float32)

        def zero_body(i, carry):
            base = i * 128
            for j in range(8):
                blk[pl.ds(base + j * 16, 16)] = z16
            return carry

        lax.fori_loop(0, blk_len // 128, zero_body, 0)

        ones16 = jnp.ones((16,), jnp.float32)

        def scat_body(j, carry):
            col = pk[pl.ds(j * 16, 16)]
            off = ro[pl.ds(j * 16, 16)]
            plsc.store_scatter(blk, [off + col], ones16, mask=col != 0)
            return carry

        lax.fori_loop(0, n_vec, scat_body, 0)

        pltpu.sync_copy(blk, out_hbm.at[pl.ds(wid * blk_len, blk_len)])

    return sc_scatter, rows_w



def _tc_body(s_ref, d_ref, v_ref, w_ref, b_ref, o_ref):
    RB, LBL = s_ref.shape
    OUT = o_ref.shape[1]
    feat = OUT - EMBED_DIMS - 1
    k16 = lax.broadcasted_iota(jnp.int32, (1, _HALF), 1).astype(jnp.float32)
    log_step = math.log(1000.0) / (_HALF - 1)
    ang_c = (2.0 * math.pi) * jnp.exp(k16 * log_step)
    av = v_ref[...] * ang_c
    row_all = b_ref[...][0:1, :] + jnp.concatenate(
        [jnp.zeros((RB, EMBED_DIMS), jnp.float32), jnp.sin(av), jnp.cos(av)],
        axis=1)
    wcol = lax.transpose(w_ref[...], (1, 0))[:, 0:1]
    rcolT = lax.transpose(row_all, (1, 0))
    wbc = jnp.broadcast_to(wcol, (OUT, LBL))
    frow = lax.broadcasted_iota(jnp.int32, (OUT, LBL), 0)
    is31 = frow == feat
    s_all = s_ref[...]
    d_all = d_ref[...]
    for r in range(RB):
        sbc = jnp.broadcast_to(s_all[r:r + 1, :], (OUT, LBL))
        dbc = jnp.broadcast_to(d_all[r:r + 1, :], (OUT, LBL))
        rbc = jnp.broadcast_to(rcolT[:, r:r + 1], (OUT, LBL))
        o_ref[r] = wbc * sbc + jnp.where(is31, dbc, rbc)


def kernel(series, peaks, variance, conv_kernel, conv_bias):
    B, L, C = series.shape
    P = peaks.shape[1]
    OUT = 2 * EMBED_DIMS
    feat = OUT - EMBED_DIMS - 1

    sc_scatter, rows_w = _make_sc_scatter(B, L, P)
    peaks_flat = peaks.reshape(B * P)
    rowoff = jnp.asarray(
        ((np.arange(B * P, dtype=np.int64) // P) % rows_w * L).astype(np.int32))
    delta = sc_scatter(peaks_flat, rowoff).reshape(B, L)

    RB = 64
    LB = 256
    NG = B // RB
    s2 = series.reshape(B, L)
    v16 = jnp.broadcast_to(variance.reshape(B, 1), (B, _HALF))
    w64 = jnp.broadcast_to(
        jnp.concatenate([conv_kernel.reshape(feat),
                         jnp.zeros((OUT - feat,), jnp.float32)]), (8, OUT))
    b64 = jnp.broadcast_to(
        jnp.concatenate([conv_bias.reshape(feat),
                         jnp.zeros((OUT - feat,), jnp.float32)]), (8, OUT))

    out_p = pl.pallas_call(
        _tc_body,
        out_shape=jax.ShapeDtypeStruct((B, OUT, L), jnp.float32),
        grid=(NG, L // LB),
        in_specs=[
            pl.BlockSpec((RB, LB), lambda i, j: (i, j)),
            pl.BlockSpec((RB, LB), lambda i, j: (i, j)),
            pl.BlockSpec((RB, _HALF), lambda i, j: (i, 0)),
            pl.BlockSpec((8, OUT), lambda i, j: (0, 0)),
            pl.BlockSpec((8, OUT), lambda i, j: (0, 0)),
        ],
        out_specs=pl.BlockSpec((RB, OUT, LB), lambda i, j: (i, 0, j)),
        compiler_params=pltpu.CompilerParams(
            dimension_semantics=("arbitrary", "arbitrary")),
    )(s2, delta, v16, w64, b64)
    return jnp.transpose(out_p, (0, 2, 1))

# --- scband reference (transcript-rebuilt; emitter-appended) ---
"""Pipeline reference for scband-embed-inputs-32779190403521 (READ-ONLY COPY).

The authoritative reference and input builder live on the scoring server;
editing this copy changes nothing except your own understanding.
"""

import jax, jax.numpy as jnp
import numpy as np
import math

EMBED_DIMS = 32
SERIES_LENGTH = 1024


def setup_inputs(seed: int = 0) -> dict:
    key = jax.random.key(seed)
    k1, k2, k3, k4 = [jax.random.fold_in(key, i) for i in range(4)]
    B, L, C = 1024, 1024, 1
    P = 50
    series = jax.random.normal(k1, (B, L, C), dtype=jnp.float32)
    peaks = jax.random.randint(k2, (B, P, 1), 0, SERIES_LENGTH, dtype=jnp.int32)
    variance = jax.random.uniform(k3, (B, 1, 1), dtype=jnp.float32)
    feat = EMBED_DIMS - 1
    conv_kernel = jax.random.normal(k4, (C, feat), dtype=jnp.float32) / math.sqrt(C)
    conv_bias = jnp.zeros((feat,), dtype=jnp.float32)
    return {"series": series, "peaks": peaks, "variance": variance,
            "conv_kernel": conv_kernel, "conv_bias": conv_bias}


def reference(series, peaks, variance, conv_kernel, conv_bias):
    B, L, C = series.shape
    # --- SinEmbed(variance) ---
    freqs = jnp.exp(jnp.linspace(jnp.log(1.0), jnp.log(1000.0), EMBED_DIMS // 2))
    ang = 2.0 * math.pi * freqs
    ang = jnp.expand_dims(ang, 0)  # (1, EMBED_DIMS//2)
    variance_embed = jnp.concatenate([jnp.sin(ang * variance), jnp.cos(ang * variance)], axis=2)  # (B,1,EMBED_DIMS)
    variance_embed = jnp.repeat(variance_embed, L, axis=1)  # (B,L,EMBED_DIMS)
    # --- EmbedPeakLocation(peaks): scatter deltas into length-1024 series ---
    Bp, P, Cp = peaks.shape
    x = peaks.reshape(Bp, P)
    zeros = jnp.zeros(Bp * SERIES_LENGTH)
    rows = jnp.repeat(jnp.arange(Bp), P)
    cols = jnp.reshape(x, (-1,))
    non_zero_inds = jnp.ravel_multi_index((rows, cols), (Bp, SERIES_LENGTH), mode='clip')
    delta_series = jnp.reshape(zeros.at[non_zero_inds].set(1.0), (-1, SERIES_LENGTH))
    delta_series = delta_series.at[:, 0].set(0.0)
    peak_embed = jnp.expand_dims(delta_series, axis=-1)  # (B,L,1)
    # --- Conv(features=EMBED_DIMS-1, kernel_size=[1]) == pointwise matmul ---
    series_proj = jnp.einsum('blc,cf->blf', series, conv_kernel) + conv_bias  # (B,L,EMBED_DIMS-1)
    out = jnp.concatenate([series_proj, peak_embed, variance_embed], axis=2)  # (B,L,2*EMBED_DIMS)
    return out

if __name__ == "__main__":
    import jax
    _d = setup_inputs()
    print(jax.jit(kernel)(*tuple(_d.values())))

</pallas_src>

<mosaic_0001>
#map = affine_map<(d0, d1) -> (0)>
module attributes {stable_mosaic.version = 14 : i64} {
  func.func @sc_scatter(%arg0: i32, %arg1: i32, %arg2: memref<51200xi32, #tpu.memory_space<hbm>>, %arg3: memref<51200xi32, #tpu.memory_space<hbm>>, %arg4: memref<1048576xf32, #tpu.memory_space<hbm>>, %arg5: memref<32768xf32, #tpu.memory_space<vmem>>, %arg6: memref<1600xi32, #tpu.memory_space<vmem>>, %arg7: memref<1600xi32, #tpu.memory_space<vmem>>) attributes {dimension_semantics = [#tpu.dimension_semantics<core_parallel>, #tpu.dimension_semantics<subcore_parallel>], iteration_bounds = array<i64: 2, 16>, scalar_prefetch = 0 : i64, scratch_operands = 3 : i64, tpu.core_type = #tpu.core_type<sc_vector_subcore>, window_params = [{transform_indices = #map}, {transform_indices = #map}, {transform_indices = #map}]} {
    %mul3A = arith.constant 2 : i32
    %mul3A_0 = arith.muli %arg1, %mul3A : i32
    %add3A = arith.addi %mul3A_0, %arg0 : i32
    %mul3A_1 = arith.constant 1600 : i32
    %mul3A_2 = arith.muli %add3A, %mul3A_1 : i32
    "tpu.region"() ({
      %run_scoped3A = tpu.sem_alloc : memref<!tpu.dma_semaphore, #tpu.memory_space<semaphore_mem>>
      %dma_start3A = tpu.memref_slice %arg2[%mul3A_2] : memref<51200xi32, #tpu.memory_space<hbm>> -> memref<1600xi32, #tpu.memory_space<hbm>>
      %dma_start3A_21 = tpu.memref_slice %arg2[%mul3A_2] : memref<51200xi32, #tpu.memory_space<hbm>> -> memref<1600xi32, #tpu.memory_space<hbm>>
      tpu.enqueue_dma source(%dma_start3A_21 : memref<1600xi32, #tpu.memory_space<hbm>>) target(%arg6 : memref<1600xi32, #tpu.memory_space<vmem>>) target_semaphore(%run_scoped3A : memref<!tpu.dma_semaphore, #tpu.memory_space<semaphore_mem>>)
      %dma_wait3A = tpu.memref_slice %arg2[%mul3A_2] : memref<51200xi32, #tpu.memory_space<hbm>> -> memref<1600xi32, #tpu.memory_space<hbm>>
      %dma_wait3A_22 = tpu.memref_slice %arg2[%mul3A_2] : memref<51200xi32, #tpu.memory_space<hbm>> -> memref<1600xi32, #tpu.memory_space<hbm>>
      tpu.wait_dma2 semaphore(%run_scoped3A : memref<!tpu.dma_semaphore, #tpu.memory_space<semaphore_mem>>) src(%dma_wait3A_22 : memref<1600xi32, #tpu.memory_space<hbm>>) dst(%arg6 : memref<1600xi32, #tpu.memory_space<vmem>>)
      tpu.yield
    }) : () -> ()
    %mul3A_3 = arith.constant 1600 : i32
    %mul3A_4 = arith.muli %add3A, %mul3A_3 : i32
    "tpu.region"() ({
      %run_scoped3A = tpu.sem_alloc : memref<!tpu.dma_semaphore, #tpu.memory_space<semaphore_mem>>
      %dma_start3A = tpu.memref_slice %arg3[%mul3A_4] : memref<51200xi32, #tpu.memory_space<hbm>> -> memref<1600xi32, #tpu.memory_space<hbm>>
      %dma_start3A_21 = tpu.memref_slice %arg3[%mul3A_4] : memref<51200xi32, #tpu.memory_space<hbm>> -> memref<1600xi32, #tpu.memory_space<hbm>>
      tpu.enqueue_dma source(%dma_start3A_21 : memref<1600xi32, #tpu.memory_space<hbm>>) target(%arg7 : memref<1600xi32, #tpu.memory_space<vmem>>) target_semaphore(%run_scoped3A : memref<!tpu.dma_semaphore, #tpu.memory_space<semaphore_mem>>)
      %dma_wait3A = tpu.memref_slice %arg3[%mul3A_4] : memref<51200xi32, #tpu.memory_space<hbm>> -> memref<1600xi32, #tpu.memory_space<hbm>>
      %dma_wait3A_22 = tpu.memref_slice %arg3[%mul3A_4] : memref<51200xi32, #tpu.memory_space<hbm>> -> memref<1600xi32, #tpu.memory_space<hbm>>
      tpu.wait_dma2 semaphore(%run_scoped3A : memref<!tpu.dma_semaphore, #tpu.memory_space<semaphore_mem>>) src(%dma_wait3A_22 : memref<1600xi32, #tpu.memory_space<hbm>>) dst(%arg7 : memref<1600xi32, #tpu.memory_space<vmem>>)
      tpu.yield
    }) : () -> ()
    %broadcast_in_dim3A = arith.constant 0.000000e+00 : f32
    %broadcast_in_dim3A_5 = vector.broadcast %broadcast_in_dim3A : f32 to vector<16xf32>
    %scan3A = arith.constant 0 : i32
    %scan3A_6 = arith.constant 0 : i32
    %scan3A_7 = arith.constant 256 : i32
    %scan3A_8 = arith.addi %scan3A_6, %scan3A_7 : i32
    %scan3A_9 = arith.constant 1 : i32
    scf.for %scan3A_21 = %scan3A_6 to %scan3A_8 step %scan3A_9  : i32 {
      %mul3A_22 = arith.constant 128 : i32
      %mul3A_23 = arith.muli %scan3A_21, %mul3A_22 : i32
      %add3A_24 = arith.constant 0 : i32
      %add3A_25 = arith.addi %mul3A_23, %add3A_24 : i32
      %swap3A = arith.index_cast %add3A_25 : i32 to index
      %swap3A_26 = tpu.vector_load %arg5[%swap3A] {strides = array<i32>} : memref<32768xf32, #tpu.memory_space<vmem>>, vector<16xf32>,
      tpu.vector_store %arg5[%swap3A], %broadcast_in_dim3A_5 {strides = array<i32>} : memref<32768xf32, #tpu.memory_space<vmem>>, vector<16xf32>,
      %add3A_27 = arith.constant 16 : i32
      %add3A_28 = arith.addi %mul3A_23, %add3A_27 : i32
      %swap3A_29 = arith.index_cast %add3A_28 : i32 to index
      %swap3A_30 = tpu.vector_load %arg5[%swap3A_29] {strides = array<i32>} : memref<32768xf32, #tpu.memory_space<vmem>>, vector<16xf32>,
      tpu.vector_store %arg5[%swap3A_29], %broadcast_in_dim3A_5 {strides = array<i32>} : memref<32768xf32, #tpu.memory_space<vmem>>, vector<16xf32>,
      %add3A_31 = arith.constant 32 : i32
      %add3A_32 = arith.addi %mul3A_23, %add3A_31 : i32
      %swap3A_33 = arith.index_cast %add3A_32 : i32 to index
      %swap3A_34 = tpu.vector_load %arg5[%swap3A_33] {strides = array<i32>} : memref<32768xf32, #tpu.memory_space<vmem>>, vector<16xf32>,
      tpu.vector_store %arg5[%swap3A_33], %broadcast_in_dim3A_5 {strides = array<i32>} : memref<32768xf32, #tpu.memory_space<vmem>>, vector<16xf32>,
      %add3A_35 = arith.constant 48 : i32
      %add3A_36 = arith.addi %mul3A_23, %add3A_35 : i32
      %swap3A_37 = arith.index_cast %add3A_36 : i32 to index
      %swap3A_38 = tpu.vector_load %arg5[%swap3A_37] {strides = array<i32>} : memref<32768xf32, #tpu.memory_space<vmem>>, vector<16xf32>,
      tpu.vector_store %arg5[%swap3A_37], %broadcast_in_dim3A_5 {strides = array<i32>} : memref<32768xf32, #tpu.memory_space<vmem>>, vector<16xf32>,
      %add3A_39 = arith.constant 64 : i32
      %add3A_40 = arith.addi %mul3A_23, %add3A_39 : i32
      %swap3A_41 = arith.index_cast %add3A_40 : i32 to index
      %swap3A_42 = tpu.vector_load %arg5[%swap3A_41] {strides = array<i32>} : memref<32768xf32, #tpu.memory_space<vmem>>, vector<16xf32>,
      tpu.vector_store %arg5[%swap3A_41], %broadcast_in_dim3A_5 {strides = array<i32>} : memref<32768xf32, #tpu.memory_space<vmem>>, vector<16xf32>,
      %add3A_43 = arith.constant 80 : i32
      %add3A_44 = arith.addi %mul3A_23, %add3A_43 : i32
      %swap3A_45 = arith.index_cast %add3A_44 : i32 to index
      %swap3A_46 = tpu.vector_load %arg5[%swap3A_45] {strides = array<i32>} : memref<32768xf32, #tpu.memory_space<vmem>>, vector<16xf32>,
      tpu.vector_store %arg5[%swap3A_45], %broadcast_in_dim3A_5 {strides = array<i32>} : memref<32768xf32, #tpu.memory_space<vmem>>, vector<16xf32>,
      %add3A_47 = arith.constant 96 : i32
      %add3A_48 = arith.addi %mul3A_23, %add3A_47 : i32
      %swap3A_49 = arith.index_cast %add3A_48 : i32 to index
      %swap3A_50 = tpu.vector_load %arg5[%swap3A_49] {strides = array<i32>} : memref<32768xf32, #tpu.memory_space<vmem>>, vector<16xf32>,
      tpu.vector_store %arg5[%swap3A_49], %broadcast_in_dim3A_5 {strides = array<i32>} : memref<32768xf32, #tpu.memory_space<vmem>>, vector<16xf32>,
      %add3A_51 = arith.constant 112 : i32
      %add3A_52 = arith.addi %mul3A_23, %add3A_51 : i32
      %swap3A_53 = arith.index_cast %add3A_52 : i32 to index
      %swap3A_54 = tpu.vector_load %arg5[%swap3A_53] {strides = array<i32>} : memref<32768xf32, #tpu.memory_space<vmem>>, vector<16xf32>,
      tpu.vector_store %arg5[%swap3A_53], %broadcast_in_dim3A_5 {strides = array<i32>} : memref<32768xf32, #tpu.memory_space<vmem>>, vector<16xf32>,
    }
    %scan3A_10 = arith.constant 256 : i32
    %broadcast_in_dim3A_11 = arith.constant 1.000000e+00 : f32
    %broadcast_in_dim3A_12 = vector.broadcast %broadcast_in_dim3A_11 : f32 to vector<16xf32>
    %scan3A_13 = arith.constant 0 : i32
    %scan3A_14 = arith.constant 0 : i32
    %scan3A_15 = arith.constant 100 : i32
    %scan3A_16 = arith.addi %scan3A_14, %scan3A_15 : i32
    %scan3A_17 = arith.constant 1 : i32
    scf.for %scan3A_21 = %scan3A_14 to %scan3A_16 step %scan3A_17  : i32 {
      %mul3A_22 = arith.constant 16 : i32
      %mul3A_23 = arith.muli %scan3A_21, %mul3A_22 : i32
      %get3A = arith.index_cast %mul3A_23 : i32 to index
      %get3A_24 = tpu.vector_load %arg6[%get3A] {strides = array<i32>} : memref<1600xi32, #tpu.memory_space<vmem>>, vector<16xi32>,
      %mul3A_25 = arith.constant 16 : i32
      %mul3A_26 = arith.muli %scan3A_21, %mul3A_25 : i32
      %get3A_27 = arith.index_cast %mul3A_26 : i32 to index
      %get3A_28 = tpu.vector_load %arg7[%get3A_27] {strides = array<i32>} : memref<1600xi32, #tpu.memory_space<vmem>>, vector<16xi32>,
      %add3A_29 = arith.addi %get3A_28, %get3A_24 : vector<16xi32>
      %ne3A = arith.constant 0 : i32
      %ne3A_30 = vector.broadcast %ne3A : i32 to vector<16xi32>
      %ne3A_31 = arith.cmpi ne, %get3A_24, %ne3A_30 : vector<16xi32>
      tpu.vector_store_idx %arg5[%add3A_29], %broadcast_in_dim3A_12 masked %ne3A_31 : memref<32768xf32, #tpu.memory_space<vmem>>[vector<16xi32>], vector<16xf32>, vector<16xi1>
    }
    %scan3A_18 = arith.constant 100 : i32
    %mul3A_19 = arith.constant 32768 : i32
    %mul3A_20 = arith.muli %add3A, %mul3A_19 : i32
    "tpu.region"() ({
      %run_scoped3A = tpu.sem_alloc : memref<!tpu.dma_semaphore, #tpu.memory_space<semaphore_mem>>
      %dma_start3A = tpu.memref_slice %arg4[%mul3A_20] : memref<1048576xf32, #tpu.memory_space<hbm>> -> memref<32768xf32, #tpu.memory_space<hbm>>
      %dma_start3A_21 = tpu.memref_slice %arg4[%mul3A_20] : memref<1048576xf32, #tpu.memory_space<hbm>> -> memref<32768xf32, #tpu.memory_space<hbm>>
      tpu.enqueue_dma source(%arg5 : memref<32768xf32, #tpu.memory_space<vmem>>) target(%dma_start3A_21 : memref<32768xf32, #tpu.memory_space<hbm>>) target_semaphore(%run_scoped3A : memref<!tpu.dma_semaphore, #tpu.memory_space<semaphore_mem>>)
      %dma_wait3A = tpu.memref_slice %arg4[%mul3A_20] : memref<1048576xf32, #tpu.memory_space<hbm>> -> memref<32768xf32, #tpu.memory_space<hbm>>
      %dma_wait3A_22 = tpu.memref_slice %arg4[%mul3A_20] : memref<1048576xf32, #tpu.memory_space<hbm>> -> memref<32768xf32, #tpu.memory_space<hbm>>
      tpu.wait_dma2 semaphore(%run_scoped3A : memref<!tpu.dma_semaphore, #tpu.memory_space<semaphore_mem>>) src(%arg5 : memref<32768xf32, #tpu.memory_space<vmem>>) dst(%dma_wait3A_22 : memref<32768xf32, #tpu.memory_space<hbm>>)
      tpu.yield
    }) : () -> ()
    return
  }
}

module attributes {stable_mosaic.version = 14 : i64} {
  func.func @_tc_body(%arg0: i32, %arg1: i32, %arg2: memref<64x256xf32, #tpu.memory_space<vmem>>, %arg3: memref<64x256xf32, #tpu.memory_space<vmem>>, %arg4: memref<64x16xf32, #tpu.memory_space<vmem>>, %arg5: memref<8x64xf32, #tpu.memory_space<vmem>>, %arg6: memref<8x64xf32, #tpu.memory_space<vmem>>, %arg7: memref<64x64x256xf32, #tpu.memory_space<vmem>>) attributes {dimension_semantics = [#tpu.dimension_semantics<arbitrary>, #tpu.dimension_semantics<arbitrary>], iteration_bounds = array<i64: 16, 4>, scalar_prefetch = 0 : i64, scratch_operands = 0 : i64, tpu.core_type = #tpu.core_type<tc>, window_params = [{transform_indices = @transform_0, window_bounds = array<i64: 64, 256>}, {transform_indices = @transform_1, window_bounds = array<i64: 64, 256>}, {transform_indices = @transform_2, window_bounds = array<i64: 64, 16>}, {pipeline_mode = #tpu.pipeline_mode<synchronous>, transform_indices = @transform_3, window_bounds = array<i64: 8, 64>}, {pipeline_mode = #tpu.pipeline_mode<synchronous>, transform_indices = @transform_4, window_bounds = array<i64: 8, 64>}, {transform_indices = @transform_5, window_bounds = array<i64: 64, 64, 256>}]} {
    %iota3A = tpu.iota {dimensions = array<i32: 1>} : vector<1x16xi32>
    %convert_element_type3A = arith.sitofp %iota3A : vector<1x16xi32> to vector<1x16xf32>
    %mul3A = arith.constant 0.460517019 : f32
    %mul3A_0 = vector.broadcast %mul3A : f32 to vector<1x16xf32>
    %mul3A_1 = arith.mulf %convert_element_type3A, %mul3A_0 : vector<1x16xf32>
    %exp3A = math.exp %mul3A_1 : vector<1x16xf32>
    %mul3A_2 = arith.constant 6.28318548 : f32
    %mul3A_3 = vector.broadcast %mul3A_2 : f32 to vector<1x16xf32>
    %mul3A_4 = arith.mulf %mul3A_3, %exp3A : vector<1x16xf32>
    %get3A = arith.constant 0 : index
    %get3A_5 = arith.constant 0 : index
    %get3A_6 = vector.load %arg4[%get3A, %get3A_5] : memref<64x16xf32, #tpu.memory_space<vmem>>, vector<64x16xf32>
    %mul3A_7 = vector.broadcast %mul3A_4 : vector<1x16xf32> to vector<64x16xf32>
    %mul3A_8 = arith.mulf %get3A_6, %mul3A_7 : vector<64x16xf32>
    %get3A_9 = arith.constant 0 : index
    %get3A_10 = arith.constant 0 : index
    %get3A_11 = vector.load %arg6[%get3A_9, %get3A_10] : memref<8x64xf32, #tpu.memory_space<vmem>>, vector<8x64xf32>
    %slice3A = vector.extract_strided_slice %get3A_11 {offsets = [0, 0], sizes = [1, 64], strides = [1, 1]} : vector<8x64xf32> to vector<1x64xf32>
    %broadcast_in_dim3A = arith.constant 0.000000e+00 : f32
    %broadcast_in_dim3A_12 = vector.broadcast %broadcast_in_dim3A : f32 to vector<64x32xf32>
    %sin3A = math.sin %mul3A_8 : vector<64x16xf32>
    %cos3A = math.cos %mul3A_8 : vector<64x16xf32>
    %concatenate3A = tpu.concatenate %broadcast_in_dim3A_12, %sin3A, %cos3A in 1 : vector<64x32xf32>, vector<64x16xf32>, vector<64x16xf32> -> vector<64x64xf32>
    %add3A = vector.broadcast %slice3A : vector<1x64xf32> to vector<64x64xf32>
    %add3A_13 = arith.addf %add3A, %concatenate3A : vector<64x64xf32>
    %get3A_14 = arith.constant 0 : index
    %get3A_15 = arith.constant 0 : index
    %get3A_16 = vector.load %arg5[%get3A_14, %get3A_15] : memref<8x64xf32, #tpu.memory_space<vmem>>, vector<8x64xf32>
    %transpose3A = tpu.transpose %get3A_16, [1, 0] : vector<8x64xf32> -> vector<64x8xf32>
    %slice3A_17 = vector.extract_strided_slice %transpose3A {offsets = [0, 0], sizes = [64, 1], strides = [1, 1]} : vector<64x8xf32> to vector<64x1xf32>
    %transpose3A_18 = tpu.transpose %add3A_13, [1, 0] : vector<64x64xf32> -> vector<64x64xf32>
    %broadcast_in_dim3A_19 = vector.shape_cast %slice3A_17 : vector<64x1xf32> to vector<64x1xf32>
    %broadcast_in_dim3A_20 = vector.broadcast %broadcast_in_dim3A_19 : vector<64x1xf32> to vector<64x256xf32>
    %iota3A_21 = tpu.iota {dimensions = array<i32: 0>} : vector<64x256xi32>
    %eq3A = arith.constant 31 : i32
    %eq3A_22 = vector.broadcast %eq3A : i32 to vector<64x256xi32>
    %eq3A_23 = arith.cmpi eq, %iota3A_21, %eq3A_22 : vector<64x256xi32>
    %get3A_24 = arith.constant 0 : index
    %get3A_25 = arith.constant 0 : index
    %get3A_26 = vector.load %arg2[%get3A_24, %get3A_25] : memref<64x256xf32, #tpu.memory_space<vmem>>, vector<64x256xf32>
    %get3A_27 = arith.constant 0 : index
    %get3A_28 = arith.constant 0 : index
    %get3A_29 = vector.load %arg3[%get3A_27, %get3A_28] : memref<64x256xf32, #tpu.memory_space<vmem>>, vector<64x256xf32>
    %slice3A_30 = vector.extract_strided_slice %get3A_26 {offsets = [0, 0], sizes = [1, 256], strides = [1, 1]} : vector<64x256xf32> to vector<1x256xf32>
    %broadcast_in_dim3A_31 = vector.shape_cast %slice3A_30 : vector<1x256xf32> to vector<1x256xf32>
    %broadcast_in_dim3A_32 = vector.broadcast %broadcast_in_dim3A_31 : vector<1x256xf32> to vector<64x256xf32>
    %slice3A_33 = vector.extract_strided_slice %get3A_29 {offsets = [0, 0], sizes = [1, 256], strides = [1, 1]} : vector<64x256xf32> to vector<1x256xf32>
    %broadcast_in_dim3A_34 = vector.shape_cast %slice3A_33 : vector<1x256xf32> to vector<1x256xf32>
    %broadcast_in_dim3A_35 = vector.broadcast %broadcast_in_dim3A_34 : vector<1x256xf32> to vector<64x256xf32>
    %slice3A_36 = vector.extract_strided_slice %transpose3A_18 {offsets = [0, 0], sizes = [64, 1], strides = [1, 1]} : vector<64x64xf32> to vector<64x1xf32>
    %broadcast_in_dim3A_37 = vector.shape_cast %slice3A_36 : vector<64x1xf32> to vector<64x1xf32>
    %broadcast_in_dim3A_38 = vector.broadcast %broadcast_in_dim3A_37 : vector<64x1xf32> to vector<64x256xf32>
    %mul3A_39 = arith.mulf %broadcast_in_dim3A_20, %broadcast_in_dim3A_32 : vector<64x256xf32>
    %select_n3A = arith.select %eq3A_23, %broadcast_in_dim3A_35, %broadcast_in_dim3A_38 : vector<64x256xi1>, vector<64x256xf32>
    %add3A_40 = arith.addf %mul3A_39, %select_n3A : vector<64x256xf32>
    %swap3A = arith.constant 0 : index
    %swap3A_41 = arith.constant 0 : index
    %swap3A_42 = arith.constant 0 : index
    %swap3A_43 = vector.load %arg7[%swap3A, %swap3A_41, %swap3A_42] : memref<64x64x256xf32, #tpu.memory_space<vmem>>, vector<1x64x256xf32>
    %swap3A_44 = vector.shape_cast %swap3A_43 : vector<1x64x256xf32> to vector<64x256xf32>
    %swap3A_45 = vector.shape_cast %add3A_40 : vector<64x256xf32> to vector<1x64x256xf32>
    tpu.vector_store %arg7[%swap3A, %swap3A_41, %swap3A_42], %swap3A_45 {strides = array<i32>} : memref<64x64x256xf32, #tpu.memory_space<vmem>>, vector<1x64x256xf32>,
    %slice3A_46 = vector.extract_strided_slice %get3A_26 {offsets = [1, 0], sizes = [1, 256], strides = [1, 1]} : vector<64x256xf32> to vector<1x256xf32>
    %broadcast_in_dim3A_47 = vector.shape_cast %slice3A_46 : vector<1x256xf32> to vector<1x256xf32>
    %broadcast_in_dim3A_48 = vector.broadcast %broadcast_in_dim3A_47 : vector<1x256xf32> to vector<64x256xf32>
    %slice3A_49 = vector.extract_strided_slice %get3A_29 {offsets = [1, 0], sizes = [1, 256], strides = [1, 1]} : vector<64x256xf32> to vector<1x256xf32>
    %broadcast_in_dim3A_50 = vector.shape_cast %slice3A_49 : vector<1x256xf32> to vector<1x256xf32>
    %broadcast_in_dim3A_51 = vector.broadcast %broadcast_in_dim3A_50 : vector<1x256xf32> to vector<64x256xf32>
    %slice3A_52 = vector.extract_strided_slice %transpose3A_18 {offsets = [0, 1], sizes = [64, 1], strides = [1, 1]} : vector<64x64xf32> to vector<64x1xf32>
    %broadcast_in_dim3A_53 = vector.shape_cast %slice3A_52 : vector<64x1xf32> to vector<64x1xf32>
    %broadcast_in_dim3A_54 = vector.broadcast %broadcast_in_dim3A_53 : vector<64x1xf32> to vector<64x256xf32>
    %mul3A_55 = arith.mulf %broadcast_in_dim3A_20, %broadcast_in_dim3A_48 : vector<64x256xf32>
    %select_n3A_56 = arith.select %eq3A_23, %broadcast_in_dim3A_51, %broadcast_in_dim3A_54 : vector<64x256xi1>, vector<64x256xf32>
    %add3A_57 = arith.addf %mul3A_55, %select_n3A_56 : vector<64x256xf32>
    %swap3A_58 = arith.constant 1 : index
    %swap3A_59 = arith.constant 0 : index
    %swap3A_60 = arith.constant 0 : index
    %swap3A_61 = vector.load %arg7[%swap3A_58, %swap3A_59, %swap3A_60] : memref<64x64x256xf32, #tpu.memory_space<vmem>>, vector<1x64x256xf32>
    %swap3A_62 = vector.shape_cast %swap3A_61 : vector<1x64x256xf32> to vector<64x256xf32>
    %swap3A_63 = vector.shape_cast %add3A_57 : vector<64x256xf32> to vector<1x64x256xf32>
    tpu.vector_store %arg7[%swap3A_58, %swap3A_59, %swap3A_60], %swap3A_63 {strides = array<i32>} : memref<64x64x256xf32, #tpu.memory_space<vmem>>, vector<1x64x256xf32>,
    %slice3A_64 = vector.extract_strided_slice %get3A_26 {offsets = [2, 0], sizes = [1, 256], strides = [1, 1]} : vector<64x256xf32> to vector<1x256xf32>
    %broadcast_in_dim3A_65 = vector.shape_cast %slice3A_64 : vector<1x256xf32> to vector<1x256xf32>
    %broadcast_in_dim3A_66 = vector.broadcast %broadcast_in_dim3A_65 : vector<1x256xf32> to vector<64x256xf32>
    %slice3A_67 = vector.extract_strided_slice %get3A_29 {offsets = [2, 0], sizes = [1, 256], strides = [1, 1]} : vector<64x256xf32> to vector<1x256xf32>
    %broadcast_in_dim3A_68 = vector.shape_cast %slice3A_67 : vector<1x256xf32> to vector<1x256xf32>
    %broadcast_in_dim3A_69 = vector.broadcast %broadcast_in_dim3A_68 : vector<1x256xf32> to vector<64x256xf32>
    %slice3A_70 = vector.extract_strided_slice %transpose3A_18 {offsets = [0, 2], sizes = [64, 1], strides = [1, 1]} : vector<64x64xf32> to vector<64x1xf32>
    %broadcast_in_dim3A_71 = vector.shape_cast %slice3A_70 : vector<64x1xf32> to vector<64x1xf32>
    %broadcast_in_dim3A_72 = vector.broadcast %broadcast_in_dim3A_71 : vector<64x1xf32> to vector<64x256xf32>
    %mul3A_73 = arith.mulf %broadcast_in_dim3A_20, %broadcast_in_dim3A_66 : vector<64x256xf32>
    %select_n3A_74 = arith.select %eq3A_23, %broadcast_in_dim3A_69, %broadcast_in_dim3A_72 : vector<64x256xi1>, vector<64x256xf32>
    %add3A_75 = arith.addf %mul3A_73, %select_n3A_74 : vector<64x256xf32>
    %swap3A_76 = arith.constant 2 : index
    %swap3A_77 = arith.constant 0 : index
    %swap3A_78 = arith.constant 0 : index
    %swap3A_79 = vector.load %arg7[%swap3A_76, %swap3A_77, %swap3A_78] : memref<64x64x256xf32, #tpu.memory_space<vmem>>, vector<1x64x256xf32>
    %swap3A_80 = vector.shape_cast %swap3A_79 : vector<1x64x256xf32> to vector<64x256xf32>
    %swap3A_81 = vector.shape_cast %add3A_75 : vector<64x256xf32> to vector<1x64x256xf32>
    tpu.vector_store %arg7[%swap3A_76, %swap3A_77, %swap3A_78], %swap3A_81 {strides = array<i32>} : memref<64x64x256xf32, #tpu.memory_space<vmem>>, vector<1x64x256xf32>,
    %slice3A_82 = vector.extract_strided_slice %get3A_26 {offsets = [3, 0], sizes = [1, 256], strides = [1, 1]} : vector<64x256xf32> to vector<1x256xf32>
    %broadcast_in_dim3A_83 = vector.shape_cast %slice3A_82 : vector<1x256xf32> to vector<1x256xf32>
    %broadcast_in_dim3A_84 = vector.broadcast %broadcast_in_dim3A_83 : vector<1x256xf32> to vector<64x256xf32>
    %slice3A_85 = vector.extract_strided_slice %get3A_29 {offsets = [3, 0], sizes = [1, 256], strides = [1, 1]} : vector<64x256xf32> to vector<1x256xf32>
    %broadcast_in_dim3A_86 = vector.shape_cast %slice3A_85 : vector<1x256xf32> to vector<1x256xf32>
    %broadcast_in_dim3A_87 = vector.broadcast %broadcast_in_dim3A_86 : vector<1x256xf32> to vector<64x256xf32>
    %slice3A_88 = vector.extract_strided_slice %transpose3A_18 {offsets = [0, 3], sizes = [64, 1], strides = [1, 1]} : vector<64x64xf32> to vector<64x1xf32>
    %broadcast_in_dim3A_89 = vector.shape_cast %slice3A_88 : vector<64x1xf32> to vector<64x1xf32>
    %broadcast_in_dim3A_90 = vector.broadcast %broadcast_in_dim3A_89 : vector<64x1xf32> to vector<64x256xf32>
    %mul3A_91 = arith.mulf %broadcast_in_dim3A_20, %broadcast_in_dim3A_84 : vector<64x256xf32>
    %select_n3A_92 = arith.select %eq3A_23, %broadcast_in_dim3A_87, %broadcast_in_dim3A_90 : vector<64x256xi1>, vector<64x256xf32>
    %add3A_93 = arith.addf %mul3A_91, %select_n3A_92 : vector<64x256xf32>
    %swap3A_94 = arith.constant 3 : index
    %swap3A_95 = arith.constant 0 : index
    %swap3A_96 = arith.constant 0 : index
    %swap3A_97 = vector.load %arg7[%swap3A_94, %swap3A_95, %swap3A_96] : memref<64x64x256xf32, #tpu.memory_space<vmem>>, vector<1x64x256xf32>
    %swap3A_98 = vector.shape_cast %swap3A_97 : vector<1x64x256xf32> to vector<64x256xf32>
    %swap3A_99 = vector.shape_cast %add3A_93 : vector<64x256xf32> to vector<1x64x256xf32>
    tpu.vector_store %arg7[%swap3A_94, %swap3A_95, %swap3A_96], %swap3A_99 {strides = array<i32>} : memref<64x64x256xf32, #tpu.memory_space<vmem>>, vector<1x64x256xf32>,
    %slice3A_100 = vector.extract_strided_slice %get3A_26 {offsets = [4, 0], sizes = [1, 256], strides = [1, 1]} : vector<64x256xf32> to vector<1x256xf32>
    %broadcast_in_dim3A_101 = vector.shape_cast %slice3A_100 : vector<1x256xf32> to vector<1x256xf32>
    %broadcast_in_dim3A_102 = vector.broadcast %broadcast_in_dim3A_101 : vector<1x256xf32> to vector<64x256xf32>
    %slice3A_103 = vector.extract_strided_slice %get3A_29 {offsets = [4, 0], sizes = [1, 256], strides = [1, 1]} : vector<64x256xf32> to vector<1x256xf32>
    %broadcast_in_dim3A_104 = vector.shape_cast %slice3A_103 : vector<1x256xf32> to vector<1x256xf32>
    %broadcast_in_dim3A_105 = vector.broadcast %broadcast_in_dim3A_104 : vector<1x256xf32> to vector<64x256xf32>
    %slice3A_106 = vector.extract_strided_slice %transpose3A_18 {offsets = [0, 4], sizes = [64, 1], strides = [1, 1]} : vector<64x64xf32> to vector<64x1xf32>
    %broadcast_in_dim3A_107 = vector.shape_cast %slice3A_106 : vector<64x1xf32> to vector<64x1xf32>
    %broadcast_in_dim3A_108 = vector.broadcast %broadcast_in_dim3A_107 : vector<64x1xf32> to vector<64x256xf32>
    %mul3A_109 = arith.mulf %broadcast_in_dim3A_20, %broadcast_in_dim3A_102 : vector<64x256xf32>
    %select_n3A_110 = arith.select %eq3A_23, %broadcast_in_dim3A_105, %broadcast_in_dim3A_108 : vector<64x256xi1>, vector<64x256xf32>
    %add3A_111 = arith.addf %mul3A_109, %select_n3A_110 : vector<64x256xf32>
    %swap3A_112 = arith.constant 4 : index
    %swap3A_113 = arith.constant 0 : index
    %swap3A_114 = arith.constant 0 : index
    %swap3A_115 = vector.load %arg7[%swap3A_112, %swap3A_113, %swap3A_114] : memref<64x64x256xf32, #tpu.memory_space<vmem>>, vector<1x64x256xf32>
    %swap3A_116 = vector.shape_cast %swap3A_115 : vector<1x64x256xf32> to vector<64x256xf32>
    %swap3A_117 = vector.shape_cast %add3A_111 : vector<64x256xf32> to vector<1x64x256xf32>
    tpu.vector_store %arg7[%swap3A_112, %swap3A_113, %swap3A_114], %swap3A_117 {strides = array<i32>} : memref<64x64x256xf32, #tpu.memory_space<vmem>>, vector<1x64x256xf32>,
    %slice3A_118 = vector.extract_strided_slice %get3A_26 {offsets = [5, 0], sizes = [1, 256], strides = [1, 1]} : vector<64x256xf32> to vector<1x256xf32>
    %broadcast_in_dim3A_119 = vector.shape_cast %slice3A_118 : vector<1x256xf32> to vector<1x256xf32>
    %broadcast_in_dim3A_120 = vector.broadcast %broadcast_in_dim3A_119 : vector<1x256xf32> to vector<64x256xf32>
    %slice3A_121 = vector.extract_strided_slice %get3A_29 {offsets = [5, 0], sizes = [1, 256], strides = [1, 1]} : vector<64x256xf32> to vector<1x256xf32>
    %broadcast_in_dim3A_122 = vector.shape_cast %slice3A_121 : vector<1x256xf32> to vector<1x256xf32>
    %broadcast_in_dim3A_123 = vector.broadcast %broadcast_in_dim3A_122 : vector<1x256xf32> to vector<64x256xf32>
    %slice3A_124 = vector.extract_strided_slice %transpose3A_18 {offsets = [0, 5], sizes = [64, 1], strides = [1, 1]} : vector<64x64xf32> to vector<64x1xf32>
    %broadcast_in_dim3A_125 = vector.shape_cast %slice3A_124 : vector<64x1xf32> to vector<64x1xf32>
    %broadcast_in_dim3A_126 = vector.broadcast %broadcast_in_dim3A_125 : vector<64x1xf32> to vector<64x256xf32>
    %mul3A_127 = arith.mulf %broadcast_in_dim3A_20, %broadcast_in_dim3A_120 : vector<64x256xf32>
    %select_n3A_128 = arith.select %eq3A_23, %broadcast_in_dim3A_123, %broadcast_in_dim3A_126 : vector<64x256xi1>, vector<64x256xf32>
    %add3A_129 = arith.addf %mul3A_127, %select_n3A_128 : vector<64x256xf32>
    %swap3A_130 = arith.constant 5 : index
    %swap3A_131 = arith.constant 0 : index
    %swap3A_132 = arith.constant 0 : index
    %swap3A_133 = vector.load %arg7[%swap3A_130, %swap3A_131, %swap3A_132] : memref<64x64x256xf32, #tpu.memory_space<vmem>>, vector<1x64x256xf32>
    %swap3A_134 = vector.shape_cast %swap3A_133 : vector<1x64x256xf32> to vector<64x256xf32>
    %swap3A_135 = vector.shape_cast %add3A_129 : vector<64x256xf32> to vector<1x64x256xf32>
    tpu.vector_store %arg7[%swap3A_130, %swap3A_131, %swap3A_132], %swap3A_135 {strides = array<i32>} : memref<64x64x256xf32, #tpu.memory_space<vmem>>, vector<1x64x256xf32>,
    %slice3A_136 = vector.extract_strided_slice %get3A_26 {offsets = [6, 0], sizes = [1, 256], strides = [1, 1]} : vector<64x256xf32> to vector<1x256xf32>
    %broadcast_in_dim3A_137 = vector.shape_cast %slice3A_136 : vector<1x256xf32> to vector<1x256xf32>
    %broadcast_in_dim3A_138 = vector.broadcast %broadcast_in_dim3A_137 : vector<1x256xf32> to vector<64x256xf32>
    %slice3A_139 = vector.extract_strided_slice %get3A_29 {offsets = [6, 0], sizes = [1, 256], strides = [1, 1]} : vector<64x256xf32> to vector<1x256xf32>
    %broadcast_in_dim3A_140 = vector.shape_cast %slice3A_139 : vector<1x256xf32> to vector<1x256xf32>
    %broadcast_in_dim3A_141 = vector.broadcast %broadcast_in_dim3A_140 : vector<1x256xf32> to vector<64x256xf32>
    %slice3A_142 = vector.extract_strided_slice %transpose3A_18 {offsets = [0, 6], sizes = [64, 1], strides = [1, 1]} : vector<64x64xf32> to vector<64x1xf32>
    %broadcast_in_dim3A_143 = vector.shape_cast %slice3A_142 : vector<64x1xf32> to vector<64x1xf32>
    %broadcast_in_dim3A_144 = vector.broadcast %broadcast_in_dim3A_143 : vector<64x1xf32> to vector<64x256xf32>
    %mul3A_145 = arith.mulf %broadcast_in_dim3A_20, %broadcast_in_dim3A_138 : vector<64x256xf32>
    %select_n3A_146 = arith.select %eq3A_23, %broadcast_in_dim3A_141, %broadcast_in_dim3A_144 : vector<64x256xi1>, vector<64x256xf32>
    %add3A_147 = arith.addf %mul3A_145, %select_n3A_146 : vector<64x256xf32>
    %swap3A_148 = arith.constant 6 : index
    %swap3A_149 = arith.constant 0 : index
    %swap3A_150 = arith.constant 0 : index
    %swap3A_151 = vector.load %arg7[%swap3A_148, %swap3A_149, %swap3A_150] : memref<64x64x256xf32, #tpu.memory_space<vmem>>, vector<1x64x256xf32>
    %swap3A_152 = vector.shape_cast %swap3A_151 : vector<1x64x256xf32> to vector<64x256xf32>
    %swap3A_153 = vector.shape_cast %add3A_147 : vector<64x256xf32> to vector<1x64x256xf32>
    tpu.vector_store %arg7[%swap3A_148, %swap3A_149, %swap3A_150], %swap3A_153 {strides = array<i32>} : memref<64x64x256xf32, #tpu.memory_space<vmem>>, vector<1x64x256xf32>,
    %slice3A_154 = vector.extract_strided_slice %get3A_26 {offsets = [7, 0], sizes = [1, 256], strides = [1, 1]} : vector<64x256xf32> to vector<1x256xf32>
    %broadcast_in_dim3A_155 = vector.shape_cast %slice3A_154 : vector<1x256xf32> to vector<1x256xf32>
    %broadcast_in_dim3A_156 = vector.broadcast %broadcast_in_dim3A_155 : vector<1x256xf32> to vector<64x256xf32>
    %slice3A_157 = vector.extract_strided_slice %get3A_29 {offsets = [7, 0], sizes = [1, 256], strides = [1, 1]} : vector<64x256xf32> to vector<1x256xf32>
    %broadcast_in_dim3A_158 = vector.shape_cast %slice3A_157 : vector<1x256xf32> to vector<1x256xf32>
    %broadcast_in_dim3A_159 = vector.broadcast %broadcast_in_dim3A_158 : vector<1x256xf32> to vector<64x256xf32>
    %slice3A_160 = vector.extract_strided_slice %transpose3A_18 {offsets = [0, 7], sizes = [64, 1], strides = [1, 1]} : vector<64x64xf32> to vector<64x1xf32>
    %broadcast_in_dim3A_161 = vector.shape_cast %slice3A_160 : vector<64x1xf32> to vector<64x1xf32>
    %broadcast_in_dim3A_162 = vector.broadcast %broadcast_in_dim3A_161 : vector<64x1xf32> to vector<64x256xf32>
    %mul3A_163 = arith.mulf %broadcast_in_dim3A_20, %broadcast_in_dim3A_156 : vector<64x256xf32>
    %select_n3A_164 = arith.select %eq3A_23, %broadcast_in_dim3A_159, %broadcast_in_dim3A_162 : vector<64x256xi1>, vector<64x256xf32>
    %add3A_165 = arith.addf %mul3A_163, %select_n3A_164 : vector<64x256xf32>
    %swap3A_166 = arith.constant 7 : index
    %swap3A_167 = arith.constant 0 : index
    %swap3A_168 = arith.constant 0 : index
    %swap3A_169 = vector.load %arg7[%swap3A_166, %swap3A_167, %swap3A_168] : memref<64x64x256xf32, #tpu.memory_space<vmem>>, vector<1x64x256xf32>
    %swap3A_170 = vector.shape_cast %swap3A_169 : vector<1x64x256xf32> to vector<64x256xf32>
    %swap3A_171 = vector.shape_cast %add3A_165 : vector<64x256xf32> to vector<1x64x256xf32>
    tpu.vector_store %arg7[%swap3A_166, %swap3A_167, %swap3A_168], %swap3A_171 {strides = array<i32>} : memref<64x64x256xf32, #tpu.memory_space<vmem>>, vector<1x64x256xf32>,
    %slice3A_172 = vector.extract_strided_slice %get3A_26 {offsets = [8, 0], sizes = [1, 256], strides = [1, 1]} : vector<64x256xf32> to vector<1x256xf32>
    %broadcast_in_dim3A_173 = vector.shape_cast %slice3A_172 : vector<1x256xf32> to vector<1x256xf32>
    %broadcast_in_dim3A_174 = vector.broadcast %broadcast_in_dim3A_173 : vector<1x256xf32> to vector<64x256xf32>
    %slice3A_175 = vector.extract_strided_slice %get3A_29 {offsets = [8, 0], sizes = [1, 256], strides = [1, 1]} : vector<64x256xf32> to vector<1x256xf32>
    %broadcast_in_dim3A_176 = vector.shape_cast %slice3A_175 : vector<1x256xf32> to vector<1x256xf32>
    %broadcast_in_dim3A_177 = vector.broadcast %broadcast_in_dim3A_176 : vector<1x256xf32> to vector<64x256xf32>
    %slice3A_178 = vector.extract_strided_slice %transpose3A_18 {offsets = [0, 8], sizes = [64, 1], strides = [1, 1]} : vector<64x64xf32> to vector<64x1xf32>
    %broadcast_in_dim3A_179 = vector.shape_cast %slice3A_178 : vector<64x1xf32> to vector<64x1xf32>
    %broadcast_in_dim3A_180 = vector.broadcast %broadcast_in_dim3A_179 : vector<64x1xf32> to vector<64x256xf32>
    %mul3A_181 = arith.mulf %broadcast_in_dim3A_20, %broadcast_in_dim3A_174 : vector<64x256xf32>
    %select_n3A_182 = arith.select %eq3A_23, %broadcast_in_dim3A_177, %broadcast_in_dim3A_180 : vector<64x256xi1>, vector<64x256xf32>
    %add3A_183 = arith.addf %mul3A_181, %select_n3A_182 : vector<64x256xf32>
    %swap3A_184 = arith.constant 8 : index
    %swap3A_185 = arith.constant 0 : index
    %swap3A_186 = arith.constant 0 : index
    %swap3A_187 = vector.load %arg7[%swap3A_184, %swap3A_185, %swap3A_186] : memref<64x64x256xf32, #tpu.memory_space<vmem>>, vector<1x64x256xf32>
    %swap3A_188 = vector.shape_cast %swap3A_187 : vector<1x64x256xf32> to vector<64x256xf32>
    %swap3A_189 = vector.shape_cast %add3A_183 : vector<64x256xf32> to vector<1x64x256xf32>
    tpu.vector_store %arg7[%swap3A_184, %swap3A_185, %swap3A_186], %swap3A_189 {strides = array<i32>} : memref<64x64x256xf32, #tpu.memory_space<vmem>>, vector<1x64x256xf32>,
    %slice3A_190 = vector.extract_strided_slice %get3A_26 {offsets = [9, 0], sizes = [1, 256], strides = [1, 1]} : vector<64x256xf32> to vector<1x256xf32>
    %broadcast_in_dim3A_191 = vector.shape_cast %slice3A_190 : vector<1x256xf32> to vector<1x256xf32>
    %broadcast_in_dim3A_192 = vector.broadcast %broadcast_in_dim3A_191 : vector<1x256xf32> to vector<64x256xf32>
    %slice3A_193 = vector.extract_strided_slice %get3A_29 {offsets = [9, 0], sizes = [1, 256], strides = [1, 1]} : vector<64x256xf32> to vector<1x256xf32>
    %broadcast_in_dim3A_194 = vector.shape_cast %slice3A_193 : vector<1x256xf32> to vector<1x256xf32>
    %broadcast_in_dim3A_195 = vector.broadcast %broadcast_in_dim3A_194 : vector<1x256xf32> to vector<64x256xf32>
    %slice3A_196 = vector.extract_strided_slice %transpose3A_18 {offsets = [0, 9], sizes = [64, 1], strides = [1, 1]} : vector<64x64xf32> to vector<64x1xf32>
    %broadcast_in_dim3A_197 = vector.shape_cast %slice3A_196 : vector<64x1xf32> to vector<64x1xf32>
    %broadcast_in_dim3A_198 = vector.broadcast %broadcast_in_dim3A_197 : vector<64x1xf32> to vector<64x256xf32>
    %mul3A_199 = arith.mulf %broadcast_in_dim3A_20, %broadcast_in_dim3A_192 : vector<64x256xf32>
    %select_n3A_200 = arith.select %eq3A_23, %broadcast_in_dim3A_195, %broadcast_in_dim3A_198 : vector<64x256xi1>, vector<64x256xf32>
    %add3A_201 = arith.addf %mul3A_199, %select_n3A_200 : vector<64x256xf32>
    %swap3A_202 = arith.constant 9 : index
    %swap3A_203 = arith.constant 0 : index
    %swap3A_204 = arith.constant 0 : index
    %swap3A_205 = vector.load %arg7[%swap3A_202, %swap3A_203, %swap3A_204] : memref<64x64x256xf32, #tpu.memory_space<vmem>>, vector<1x64x256xf32>
    %swap3A_206 = vector.shape_cast %swap3A_205 : vector<1x64x256xf32> to vector<64x256xf32>
    %swap3A_207 = vector.shape_cast %add3A_201 : vector<64x256xf32> to vector<1x64x256xf32>
    tpu.vector_store %arg7[%swap3A_202, %swap3A_203, %swap3A_204], %swap3A_207 {strides = array<i32>} : memref<64x64x256xf32, #tpu.memory_space<vmem>>, vector<1x64x256xf32>,
    %slice3A_208 = vector.extract_strided_slice %get3A_26 {offsets = [10, 0], sizes = [1, 256], strides = [1, 1]} : vector<64x256xf32> to vector<1x256xf32>
    %broadcast_in_dim3A_209 = vector.shape_cast %slice3A_208 : vector<1x256xf32> to vector<1x256xf32>
    %broadcast_in_dim3A_210 = vector.broadcast %broadcast_in_dim3A_209 : vector<1x256xf32> to vector<64x256xf32>
    %slice3A_211 = vector.extract_strided_slice %get3A_29 {offsets = [10, 0], sizes = [1, 256], strides = [1, 1]} : vector<64x256xf32> to vector<1x256xf32>
    %broadcast_in_dim3A_212 = vector.shape_cast %slice3A_211 : vector<1x256xf32> to vector<1x256xf32>
    %broadcast_in_dim3A_213 = vector.broadcast %broadcast_in_dim3A_212 : vector<1x256xf32> to vector<64x256xf32>
    %slice3A_214 = vector.extract_strided_slice %transpose3A_18 {offsets = [0, 10], sizes = [64, 1], strides = [1, 1]} : vector<64x64xf32> to vector<64x1xf32>
    %broadcast_in_dim3A_215 = vector.shape_cast %slice3A_214 : vector<64x1xf32> to vector<64x1xf32>
    %broadcast_in_dim3A_216 = vector.broadcast %broadcast_in_dim3A_215 : vector<64x1xf32> to vector<64x256xf32>
    %mul3A_217 = arith.mulf %broadcast_in_dim3A_20, %broadcast_in_dim3A_210 : vector<64x256xf32>
    %select_n3A_218 = arith.select %eq3A_23, %broadcast_in_dim3A_213, %broadcast_in_dim3A_216 : vector<64x256xi1>, vector<64x256xf32>
    %add3A_219 = arith.addf %mul3A_217, %select_n3A_218 : vector<64x256xf32>
    %swap3A_220 = arith.constant 10 : index
    %swap3A_221 = arith.constant 0 : index
    %swap3A_222 = arith.constant 0 : index
    %swap3A_223 = vector.load %arg7[%swap3A_220, %swap3A_221, %swap3A_222] : memref<64x64x256xf32, #tpu.memory_space<vmem>>, vector<1x64x256xf32>
    %swap3A_224 = vector.shape_cast %swap3A_223 : vector<1x64x256xf32> to vector<64x256xf32>
    %swap3A_225 = vector.shape_cast %add3A_219 : vector<64x256xf32> to vector<1x64x256xf32>
    tpu.vector_store %arg7[%swap3A_220, %swap3A_221, %swap3A_222], %swap3A_225 {strides = array<i32>} : memref<64x64x256xf32, #tpu.memory_space<vmem>>, vector<1x64x256xf32>,
    %slice3A_226 = vector.extract_strided_slice %get3A_26 {offsets = [11, 0], sizes = [1, 256], strides = [1, 1]} : vector<64x256xf32> to vector<1x256xf32>
    %broadcast_in_dim3A_227 = vector.shape_cast %slice3A_226 : vector<1x256xf32> to vector<1x256xf32>
    %broadcast_in_dim3A_228 = vector.broadcast %broadcast_in_dim3A_227 : vector<1x256xf32> to vector<64x256xf32>
    %slice3A_229 = vector.extract_strided_slice %get3A_29 {offsets = [11, 0], sizes = [1, 256], strides = [1, 1]} : vector<64x256xf32> to vector<1x256xf32>
    %broadcast_in_dim3A_230 = vector.shape_cast %slice3A_229 : vector<1x256xf32> to vector<1x256xf32>
    %broadcast_in_dim3A_231 = vector.broadcast %broadcast_in_dim3A_230 : vector<1x256xf32> to vector<64x256xf32>
    %slice3A_232 = vector.extract_strided_slice %transpose3A_18 {offsets = [0, 11], sizes = [64, 1], strides = [1, 1]} : vector<64x64xf32> to vector<64x1xf32>
    %broadcast_in_dim3A_233 = vector.shape_cast %slice3A_232 : vector<64x1xf32> to vector<64x1xf32>
    %broadcast_in_dim3A_234 = vector.broadcast %broadcast_in_dim3A_233 : vector<64x1xf32> to vector<64x256xf32>
    %mul3A_235 = arith.mulf %broadcast_in_dim3A_20, %broadcast_in_dim3A_228 : vector<64x256xf32>
    %select_n3A_236 = arith.select %eq3A_23, %broadcast_in_dim3A_231, %broadcast_in_dim3A_234 : vector<64x256xi1>, vector<64x256xf32>
    %add3A_237 = arith.addf %mul3A_235, %select_n3A_236 : vector<64x256xf32>
    %swap3A_238 = arith.constant 11 : index
    %swap3A_239 = arith.constant 0 : index
    %swap3A_240 = arith.constant 0 : index
    %swap3A_241 = vector.load %arg7[%swap3A_238, %swap3A_239, %swap3A_240] : memref<64x64x256xf32, #tpu.memory_space<vmem>>, vector<1x64x256xf32>
    %swap3A_242 = vector.shape_cast %swap3A_241 : vector<1x64x256xf32> to vector<64x256xf32>
    %swap3A_243 = vector.shape_cast %add3A_237 : vector<64x256xf32> to vector<1x64x256xf32>
    tpu.vector_store %arg7[%swap3A_238, %swap3A_239, %swap3A_240], %swap3A_243 {strides = array<i32>} : memref<64x64x256xf32, #tpu.memory_space<vmem>>, vector<1x64x256xf32>,
    %slice3A_244 = vector.extract_strided_slice %get3A_26 {offsets = [12, 0], sizes = [1, 256], strides = [1, 1]} : vector<64x256xf32> to vector<1x256xf32>
    %broadcast_in_dim3A_245 = vector.shape_cast %slice3A_244 : vector<1x256xf32> to vector<1x256xf32>
    %broadcast_in_dim3A_246 = vector.broadcast %broadcast_in_dim3A_245 : vector<1x256xf32> to vector<64x256xf32>
    %slice3A_247 = vector.extract_strided_slice %get3A_29 {offsets = [12, 0], sizes = [1, 256], strides = [1, 1]} : vector<64x256xf32> to vector<1x256xf32>
    %broadcast_in_dim3A_248 = vector.shape_cast %slice3A_247 : vector<1x256xf32> to vector<1x256xf32>
    %broadcast_in_dim3A_249 = vector.broadcast %broadcast_in_dim3A_248 : vector<1x256xf32> to vector<64x256xf32>
    %slice3A_250 = vector.extract_strided_slice %transpose3A_18 {offsets = [0, 12], sizes = [64, 1], strides = [1, 1]} : vector<64x64xf32> to vector<64x1xf32>
    %broadcast_in_dim3A_251 = vector.shape_cast %slice3A_250 : vector<64x1xf32> to vector<64x1xf32>
    %broadcast_in_dim3A_252 = vector.broadcast %broadcast_in_dim3A_251 : vector<64x1xf32> to vector<64x256xf32>
    %mul3A_253 = arith.mulf %broadcast_in_dim3A_20, %broadcast_in_dim3A_246 : vector<64x256xf32>
    %select_n3A_254 = arith.select %eq3A_23, %broadcast_in_dim3A_249, %broadcast_in_dim3A_252 : vector<64x256xi1>, vector<64x256xf32>
    %add3A_255 = arith.addf %mul3A_253, %select_n3A_254 : vector<64x256xf32>
    %swap3A_256 = arith.constant 12 : index
    %swap3A_257 = arith.constant 0 : index
    %swap3A_258 = arith.constant 0 : index
    %swap3A_259 = vector.load %arg7[%swap3A_256, %swap3A_257, %swap3A_258] : memref<64x64x256xf32, #tpu.memory_space<vmem>>, vector<1x64x256xf32>
    %swap3A_260 = vector.shape_cast %swap3A_259 : vector<1x64x256xf32> to vector<64x256xf32>
    %swap3A_261 = vector.shape_cast %add3A_255 : vector<64x256xf32> to vector<1x64x256xf32>
    tpu.vector_store %arg7[%swap3A_256, %swap3A_257, %swap3A_258], %swap3A_261 {strides = array<i32>} : memref<64x64x256xf32, #tpu.memory_space<vmem>>, vector<1x64x256xf32>,
    %slice3A_262 = vector.extract_strided_slice %get3A_26 {offsets = [13, 0], sizes = [1, 256], strides = [1, 1]} : vector<64x256xf32> to vector<1x256xf32>
    %broadcast_in_dim3A_263 = vector.shape_cast %slice3A_262 : vector<1x256xf32> to vector<1x256xf32>
    %broadcast_in_dim3A_264 = vector.broadcast %broadcast_in_dim3A_263 : vector<1x256xf32> to vector<64x256xf32>
    %slice3A_265 = vector.extract_strided_slice %get3A_29 {offsets = [13, 0], sizes = [1, 256], strides = [1, 1]} : vector<64x256xf32> to vector<1x256xf32>
    %broadcast_in_dim3A_266 = vector.shape_cast %slice3A_265 : vector<1x256xf32> to vector<1x256xf32>
    %broadcast_in_dim3A_267 = vector.broadcast %broadcast_in_dim3A_266 : vector<1x256xf32> to vector<64x256xf32>
    %slice3A_268 = vector.extract_strided_slice %transpose3A_18 {offsets = [0, 13], sizes = [64, 1], strides = [1, 1]} : vector<64x64xf32> to vector<64x1xf32>
    %broadcast_in_dim3A_269 = vector.shape_cast %slice3A_268 : vector<64x1xf32> to vector<64x1xf32>
    %broadcast_in_dim3A_270 = vector.broadcast %broadcast_in_dim3A_269 : vector<64x1xf32> to vector<64x256xf32>
    %mul3A_271 = arith.mulf %broadcast_in_dim3A_20, %broadcast_in_dim3A_264 : vector<64x256xf32>
    %select_n3A_272 = arith.select %eq3A_23, %broadcast_in_dim3A_267, %broadcast_in_dim3A_270 : vector<64x256xi1>, vector<64x256xf32>
    %add3A_273 = arith.addf %mul3A_271, %select_n3A_272 : vector<64x256xf32>
    %swap3A_274 = arith.constant 13 : index
    %swap3A_275 = arith.constant 0 : index
    %swap3A_276 = arith.constant 0 : index
    %swap3A_277 = vector.load %arg7[%swap3A_274, %swap3A_275, %swap3A_276] : memref<64x64x256xf32, #tpu.memory_space<vmem>>, vector<1x64x256xf32>
    %swap3A_278 = vector.shape_cast %swap3A_277 : vector<1x64x256xf32> to vector<64x256xf32>
    %swap3A_279 = vector.shape_cast %add3A_273 : vector<64x256xf32> to vector<1x64x256xf32>
    tpu.vector_store %arg7[%swap3A_274, %swap3A_275, %swap3A_276], %swap3A_279 {strides = array<i32>} : memref<64x64x256xf32, #tpu.memory_space<vmem>>, vector<1x64x256xf32>,
    %slice3A_280 = vector.extract_strided_slice %get3A_26 {offsets = [14, 0], sizes = [1, 256], strides = [1, 1]} : vector<64x256xf32> to vector<1x256xf32>
    %broadcast_in_dim3A_281 = vector.shape_cast %slice3A_280 : vector<1x256xf32> to vector<1x256xf32>
    %broadcast_in_dim3A_282 = vector.broadcast %broadcast_in_dim3A_281 : vector<1x256xf32> to vector<64x256xf32>
    %slice3A_283 = vector.extract_strided_slice %get3A_29 {offsets = [14, 0], sizes = [1, 256], strides = [1, 1]} : vector<64x256xf32> to vector<1x256xf32>
    %broadcast_in_dim3A_284 = vector.shape_cast %slice3A_283 : vector<1x256xf32> to vector<1x256xf32>
    %broadcast_in_dim3A_285 = vector.broadcast %broadcast_in_dim3A_284 : vector<1x256xf32> to vector<64x256xf32>
    %slice3A_286 = vector.extract_strided_slice %transpose3A_18 {offsets = [0, 14], sizes = [64, 1], strides = [1, 1]} : vector<64x64xf32> to vector<64x1xf32>
    %broadcast_in_dim3A_287 = vector.shape_cast %slice3A_286 : vector<64x1xf32> to vector<64x1xf32>
    %broadcast_in_dim3A_288 = vector.broadcast %broadcast_in_dim3A_287 : vector<64x1xf32> to vector<64x256xf32>
    %mul3A_289 = arith.mulf %broadcast_in_dim3A_20, %broadcast_in_dim3A_282 : vector<64x256xf32>
    %select_n3A_290 = arith.select %eq3A_23, %broadcast_in_dim3A_285, %broadcast_in_dim3A_288 : vector<64x256xi1>, vector<64x256xf32>
    %add3A_291 = arith.addf %mul3A_289, %select_n3A_290 : vector<64x256xf32>
    %swap3A_292 = arith.constant 14 : index
    %swap3A_293 = arith.constant 0 : index
    %swap3A_294 = arith.constant 0 : index
    %swap3A_295 = vector.load %arg7[%swap3A_292, %swap3A_293, %swap3A_294] : memref<64x64x256xf32, #tpu.memory_space<vmem>>, vector<1x64x256xf32>
    %swap3A_296 = vector.shape_cast %swap3A_295 : vector<1x64x256xf32> to vector<64x256xf32>
    %swap3A_297 = vector.shape_cast %add3A_291 : vector<64x256xf32> to vector<1x64x256xf32>
    tpu.vector_store %arg7[%swap3A_292, %swap3A_293, %swap3A_294], %swap3A_297 {strides = array<i32>} : memref<64x64x256xf32, #tpu.memory_space<vmem>>, vector<1x64x256xf32>,
    %slice3A_298 = vector.extract_strided_slice %get3A_26 {offsets = [15, 0], sizes = [1, 256], strides = [1, 1]} : vector<64x256xf32> to vector<1x256xf32>
    %broadcast_in_dim3A_299 = vector.shape_cast %slice3A_298 : vector<1x256xf32> to vector<1x256xf32>
    %broadcast_in_dim3A_300 = vector.broadcast %broadcast_in_dim3A_299 : vector<1x256xf32> to vector<64x256xf32>
    %slice3A_301 = vector.extract_strided_slice %get3A_29 {offsets = [15, 0], sizes = [1, 256], strides = [1, 1]} : vector<64x256xf32> to vector<1x256xf32>
    %broadcast_in_dim3A_302 = vector.shape_cast %slice3A_301 : vector<1x256xf32> to vector<1x256xf32>
    %broadcast_in_dim3A_303 = vector.broadcast %broadcast_in_dim3A_302 : vector<1x256xf32> to vector<64x256xf32>
    %slice3A_304 = vector.extract_strided_slice %transpose3A_18 {offsets = [0, 15], sizes = [64, 1], strides = [1, 1]} : vector<64x64xf32> to vector<64x1xf32>
    %broadcast_in_dim3A_305 = vector.shape_cast %slice3A_304 : vector<64x1xf32> to vector<64x1xf32>
    %broadcast_in_dim3A_306 = vector.broadcast %broadcast_in_dim3A_305 : vector<64x1xf32> to vector<64x256xf32>
    %mul3A_307 = arith.mulf %broadcast_in_dim3A_20, %broadcast_in_dim3A_300 : vector<64x256xf32>
    %select_n3A_308 = arith.select %eq3A_23, %broadcast_in_dim3A_303, %broadcast_in_dim3A_306 : vector<64x256xi1>, vector<64x256xf32>
    %add3A_309 = arith.addf %mul3A_307, %select_n3A_308 : vector<64x256xf32>
    %swap3A_310 = arith.constant 15 : index
    %swap3A_311 = arith.constant 0 : index
    %swap3A_312 = arith.constant 0 : index
    %swap3A_313 = vector.load %arg7[%swap3A_310, %swap3A_311, %swap3A_312] : memref<64x64x256xf32, #tpu.memory_space<vmem>>, vector<1x64x256xf32>
    %swap3A_314 = vector.shape_cast %swap3A_313 : vector<1x64x256xf32> to vector<64x256xf32>
    %swap3A_315 = vector.shape_cast %add3A_309 : vector<64x256xf32> to vector<1x64x256xf32>
    tpu.vector_store %arg7[%swap3A_310, %swap3A_311, %swap3A_312], %swap3A_315 {strides = array<i32>} : memref<64x64x256xf32, #tpu.memory_space<vmem>>, vector<1x64x256xf32>,
    %slice3A_316 = vector.extract_strided_slice %get3A_26 {offsets = [16, 0], sizes = [1, 256], strides = [1, 1]} : vector<64x256xf32> to vector<1x256xf32>
    %broadcast_in_dim3A_317 = vector.shape_cast %slice3A_316 : vector<1x256xf32> to vector<1x256xf32>
    %broadcast_in_dim3A_318 = vector.broadcast %broadcast_in_dim3A_317 : vector<1x256xf32> to vector<64x256xf32>
    %slice3A_319 = vector.extract_strided_slice %get3A_29 {offsets = [16, 0], sizes = [1, 256], strides = [1, 1]} : vector<64x256xf32> to vector<1x256xf32>
    %broadcast_in_dim3A_320 = vector.shape_cast %slice3A_319 : vector<1x256xf32> to vector<1x256xf32>
    %broadcast_in_dim3A_321 = vector.broadcast %broadcast_in_dim3A_320 : vector<1x256xf32> to vector<64x256xf32>
    %slice3A_322 = vector.extract_strided_slice %transpose3A_18 {offsets = [0, 16], sizes = [64, 1], strides = [1, 1]} : vector<64x64xf32> to vector<64x1xf32>
    %broadcast_in_dim3A_323 = vector.shape_cast %slice3A_322 : vector<64x1xf32> to vector<64x1xf32>
    %broadcast_in_dim3A_324 = vector.broadcast %broadcast_in_dim3A_323 : vector<64x1xf32> to vector<64x256xf32>
    %mul3A_325 = arith.mulf %broadcast_in_dim3A_20, %broadcast_in_dim3A_318 : vector<64x256xf32>
    %select_n3A_326 = arith.select %eq3A_23, %broadcast_in_dim3A_321, %broadcast_in_dim3A_324 : vector<64x256xi1>, vector<64x256xf32>
    %add3A_327 = arith.addf %mul3A_325, %select_n3A_326 : vector<64x256xf32>
    %swap3A_328 = arith.constant 16 : index
    %swap3A_329 = arith.constant 0 : index
    %swap3A_330 = arith.constant 0 : index
    %swap3A_331 = vector.load %arg7[%swap3A_328, %swap3A_329, %swap3A_330] : memref<64x64x256xf32, #tpu.memory_space<vmem>>, vector<1x64x256xf32>
    %swap3A_332 = vector.shape_cast %swap3A_331 : vector<1x64x256xf32> to vector<64x256xf32>
    %swap3A_333 = vector.shape_cast %add3A_327 : vector<64x256xf32> to vector<1x64x256xf32>
    tpu.vector_store %arg7[%swap3A_328, %swap3A_329, %swap3A_330], %swap3A_333 {strides = array<i32>} : memref<64x64x256xf32, #tpu.memory_space<vmem>>, vector<1x64x256xf32>,
    %slice3A_334 = vector.extract_strided_slice %get3A_26 {offsets = [17, 0], sizes = [1, 256], strides = [1, 1]} : vector<64x256xf32> to vector<1x256xf32>
    %broadcast_in_dim3A_335 = vector.shape_cast %slice3A_334 : vector<1x256xf32> to vector<1x256xf32>
    %broadcast_in_dim3A_336 = vector.broadcast %broadcast_in_dim3A_335 : vector<1x256xf32> to vector<64x256xf32>
    %slice3A_337 = vector.extract_strided_slice %get3A_29 {offsets = [17, 0], sizes = [1, 256], strides = [1, 1]} : vector<64x256xf32> to vector<1x256xf32>
    %broadcast_in_dim3A_338 = vector.shape_cast %slice3A_337 : vector<1x256xf32> to vector<1x256xf32>
    %broadcast_in_dim3A_339 = vector.broadcast %broadcast_in_dim3A_338 : vector<1x256xf32> to vector<64x256xf32>
    %slice3A_340 = vector.extract_strided_slice %transpose3A_18 {offsets = [0, 17], sizes = [64, 1], strides = [1, 1]} : vector<64x64xf32> to vector<64x1xf32>
    %broadcast_in_dim3A_341 = vector.shape_cast %slice3A_340 : vector<64x1xf32> to vector<64x1xf32>
    %broadcast_in_dim3A_342 = vector.broadcast %broadcast_in_dim3A_341 : vector<64x1xf32> to vector<64x256xf32>
    %mul3A_343 = arith.mulf %broadcast_in_dim3A_20, %broadcast_in_dim3A_336 : vector<64x256xf32>
    %select_n3A_344 = arith.select %eq3A_23, %broadcast_in_dim3A_339, %broadcast_in_dim3A_342 : vector<64x256xi1>, vector<64x256xf32>
    %add3A_345 = arith.addf %mul3A_343, %select_n3A_344 : vector<64x256xf32>
    %swap3A_346 = arith.constant 17 : index
    %swap3A_347 = arith.constant 0 : index
    %swap3A_348 = arith.constant 0 : index
    %swap3A_349 = vector.load %arg7[%swap3A_346, %swap3A_347, %swap3A_348] : memref<64x64x256xf32, #tpu.memory_space<vmem>>, vector<1x64x256xf32>
    %swap3A_350 = vector.shape_cast %swap3A_349 : vector<1x64x256xf32> to vector<64x256xf32>
    %swap3A_351 = vector.shape_cast %add3A_345 : vector<64x256xf32> to vector<1x64x256xf32>
    tpu.vector_store %arg7[%swap3A_346, %swap3A_347, %swap3A_348], %swap3A_351 {strides = array<i32>} : memref<64x64x256xf32, #tpu.memory_space<vmem>>, vector<1x64x256xf32>,
    %slice3A_352 = vector.extract_strided_slice %get3A_26 {offsets = [18, 0], sizes = [1, 256], strides = [1, 1]} : vector<64x256xf32> to vector<1x256xf32>
    %broadcast_in_dim3A_353 = vector.shape_cast %slice3A_352 : vector<1x256xf32> to vector<1x256xf32>
    %broadcast_in_dim3A_354 = vector.broadcast %broadcast_in_dim3A_353 : vector<1x256xf32> to vector<64x256xf32>
    %slice3A_355 = vector.extract_strided_slice %get3A_29 {offsets = [18, 0], sizes = [1, 256], strides = [1, 1]} : vector<64x256xf32> to vector<1x256xf32>
    %broadcast_in_dim3A_356 = vector.shape_cast %slice3A_355 : vector<1x256xf32> to vector<1x256xf32>
    %broadcast_in_dim3A_357 = vector.broadcast %broadcast_in_dim3A_356 : vector<1x256xf32> to vector<64x256xf32>
    %slice3A_358 = vector.extract_strided_slice %transpose3A_18 {offsets = [0, 18], sizes = [64, 1], strides = [1, 1]} : vector<64x64xf32> to vector<64x1xf32>
    %broadcast_in_dim3A_359 = vector.shape_cast %slice3A_358 : vector<64x1xf32> to vector<64x1xf32>
    %broadcast_in_dim3A_360 = vector.broadcast %broadcast_in_dim3A_359 : vector<64x1xf32> to vector<64x256xf32>
    %mul3A_361 = arith.mulf %broadcast_in_dim3A_20, %broadcast_in_dim3A_354 : vector<64x256xf32>
    %select_n3A_362 = arith.select %eq3A_23, %broadcast_in_dim3A_357, %broadcast_in_dim3A_360 : vector<64x256xi1>, vector<64x256xf32>
    %add3A_363 = arith.addf %mul3A_361, %select_n3A_362 : vector<64x256xf32>
    %swap3A_364 = arith.constant 18 : index
    %swap3A_365 = arith.constant 0 : index
    %swap3A_366 = arith.constant 0 : index
    %swap3A_367 = vector.load %arg7[%swap3A_364, %swap3A_365, %swap3A_366] : memref<64x64x256xf32, #tpu.memory_space<vmem>>, vector<1x64x256xf32>
    %swap3A_368 = vector.shape_cast %swap3A_367 : vector<1x64x256xf32> to vector<64x256xf32>
    %swap3A_369 = vector.shape_cast %add3A_363 : vector<64x256xf32> to vector<1x64x256xf32>
    tpu.vector_store %arg7[%swap3A_364, %swap3A_365, %swap3A_366], %swap3A_369 {strides = array<i32>} : memref<64x64x256xf32, #tpu.memory_space<vmem>>, vector<1x64x256xf32>,
    %slice3A_370 = vector.extract_strided_slice %get3A_26 {offsets = [19, 0], sizes = [1, 256], strides = [1, 1]} : vector<64x256xf32> to vector<1x256xf32>
    %broadcast_in_dim3A_371 = vector.shape_cast %slice3A_370 : vector<1x256xf32> to vector<1x256xf32>
    %broadcast_in_dim3A_372 = vector.broadcast %broadcast_in_dim3A_371 : vector<1x256xf32> to vector<64x256xf32>
    %slice3A_373 = vector.extract_strided_slice %get3A_29 {offsets = [19, 0], sizes = [1, 256], strides = [1, 1]} : vector<64x256xf32> to vector<1x256xf32>
    %broadcast_in_dim3A_374 = vector.shape_cast %slice3A_373 : vector<1x256xf32> to vector<1x256xf32>
    %broadcast_in_dim3A_375 = vector.broadcast %broadcast_in_dim3A_374 : vector<1x256xf32> to vector<64x256xf32>
    %slice3A_376 = vector.extract_strided_slice %transpose3A_18 {offsets = [0, 19], sizes = [64, 1], strides = [1, 1]} : vector<64x64xf32> to vector<64x1xf32>
    %broadcast_in_dim3A_377 = vector.shape_cast %slice3A_376 : vector<64x1xf32> to vector<64x1xf32>
    %broadcast_in_dim3A_378 = vector.broadcast %broadcast_in_dim3A_377 : vector<64x1xf32> to vector<64x256xf32>
    %mul3A_379 = arith.mulf %broadcast_in_dim3A_20, %broadcast_in_dim3A_372 : vector<64x256xf32>
    %select_n3A_380 = arith.select %eq3A_23, %broadcast_in_dim3A_375, %broadcast_in_dim3A_378 : vector<64x256xi1>, vector<64x256xf32>
    %add3A_381 = arith.addf %mul3A_379, %select_n3A_380 : vector<64x256xf32>
    %swap3A_382 = arith.constant 19 : index
    %swap3A_383 = arith.constant 0 : index
    %swap3A_384 = arith.constant 0 : index
    %swap3A_385 = vector.load %arg7[%swap3A_382, %swap3A_383, %swap3A_384] : memref<64x64x256xf32, #tpu.memory_space<vmem>>, vector<1x64x256xf32>
    %swap3A_386 = vector.shape_cast %swap3A_385 : vector<1x64x256xf32> to vector<64x256xf32>
    %swap3A_387 = vector.shape_cast %add3A_381 : vector<64x256xf32> to vector<1x64x256xf32>
    tpu.vector_store %arg7[%swap3A_382, %swap3A_383, %swap3A_384], %swap3A_387 {strides = array<i32>} : memref<64x64x256xf32, #tpu.memory_space<vmem>>, vector<1x64x256xf32>,
    %slice3A_388 = vector.extract_strided_slice %get3A_26 {offsets = [20, 0], sizes = [1, 256], strides = [1, 1]} : vector<64x256xf32> to vector<1x256xf32>
    %broadcast_in_dim3A_389 = vector.shape_cast %slice3A_388 : vector<1x256xf32> to vector<1x256xf32>
    %broadcast_in_dim3A_390 = vector.broadcast %broadcast_in_dim3A_389 : vector<1x256xf32> to vector<64x256xf32>
    %slice3A_391 = vector.extract_strided_slice %get3A_29 {offsets = [20, 0], sizes = [1, 256], strides = [1, 1]} : vector<64x256xf32> to vector<1x256xf32>
    %broadcast_in_dim3A_392 = vector.shape_cast %slice3A_391 : vector<1x256xf32> to vector<1x256xf32>
    %broadcast_in_dim3A_393 = vector.broadcast %broadcast_in_dim3A_392 : vector<1x256xf32> to vector<64x256xf32>
    %slice3A_394 = vector.extract_strided_slice %transpose3A_18 {offsets = [0, 20], sizes = [64, 1], strides = [1, 1]} : vector<64x64xf32> to vector<64x1xf32>
    %broadcast_in_dim3A_395 = vector.shape_cast %slice3A_394 : vector<64x1xf32> to vector<64x1xf32>
    %broadcast_in_dim3A_396 = vector.broadcast %broadcast_in_dim3A_395 : vector<64x1xf32> to vector<64x256xf32>
    %mul3A_397 = arith.mulf %broadcast_in_dim3A_20, %broadcast_in_dim3A_390 : vector<64x256xf32>
    %select_n3A_398 = arith.select %eq3A_23, %broadcast_in_dim3A_393, %broadcast_in_dim3A_396 : vector<64x256xi1>, vector<64x256xf32>
    %add3A_399 = arith.addf %mul3A_397, %select_n3A_398 : vector<64x256xf32>
    %swap3A_400 = arith.constant 20 : index
    %swap3A_401 = arith.constant 0 : index
    %swap3A_402 = arith.constant 0 : index
    %swap3A_403 = vector.load %arg7[%swap3A_400, %swap3A_401, %swap3A_402] : memref<64x64x256xf32, #tpu.memory_space<vmem>>, vector<1x64x256xf32>
    %swap3A_404 = vector.shape_cast %swap3A_403 : vector<1x64x256xf32> to vector<64x256xf32>
    %swap3A_405 = vector.shape_cast %add3A_399 : vector<64x256xf32> to vector<1x64x256xf32>
    tpu.vector_store %arg7[%swap3A_400, %swap3A_401, %swap3A_402], %swap3A_405 {strides = array<i32>} : memref<64x64x256xf32, #tpu.memory_space<vmem>>, vector<1x64x256xf32>,
    %slice3A_406 = vector.extract_strided_slice %get3A_26 {offsets = [21, 0], sizes = [1, 256], strides = [1, 1]} : vector<64x256xf32> to vector<1x256xf32>
    %broadcast_in_dim3A_407 = vector.shape_cast %slice3A_406 : vector<1x256xf32> to vector<1x256xf32>
    %broadcast_in_dim3A_408 = vector.broadcast %broadcast_in_dim3A_407 : vector<1x256xf32> to vector<64x256xf32>
    %slice3A_409 = vector.extract_strided_slice %get3A_29 {offsets = [21, 0], sizes = [1, 256], strides = [1, 1]} : vector<64x256xf32> to vector<1x256xf32>
    %broadcast_in_dim3A_410 = vector.shape_cast %slice3A_409 : vector<1x256xf32> to vector<1x256xf32>
    %broadcast_in_dim3A_411 = vector.broadcast %broadcast_in_dim3A_410 : vector<1x256xf32> to vector<64x256xf32>
    %slice3A_412 = vector.extract_strided_slice %transpose3A_18 {offsets = [0, 21], sizes = [64, 1], strides = [1, 1]} : vector<64x64xf32> to vector<64x1xf32>
    %broadcast_in_dim3A_413 = vector.shape_cast %slice3A_412 : vector<64x1xf32> to vector<64x1xf32>
    %broadcast_in_dim3A_414 = vector.broadcast %broadcast_in_dim3A_413 : vector<64x1xf32> to vector<64x256xf32>
    %mul3A_415 = arith.mulf %broadcast_in_dim3A_20, %broadcast_in_dim3A_408 : vector<64x256xf32>
    %select_n3A_416 = arith.select %eq3A_23, %broadcast_in_dim3A_411, %broadcast_in_dim3A_414 : vector<64x256xi1>, vector<64x256xf32>
    %add3A_417 = arith.addf %mul3A_415, %select_n3A_416 : vector<64x256xf32>
    %swap3A_418 = arith.constant 21 : index
    %swap3A_419 = arith.constant 0 : index
    %swap3A_420 = arith.constant 0 : index
    %swap3A_421 = vector.load %arg7[%swap3A_418, %swap3A_419, %swap3A_420] : memref<64x64x256xf32, #tpu.memory_space<vmem>>, vector<1x64x256xf32>
    %swap3A_422 = vector.shape_cast %swap3A_421 : vector<1x64x256xf32> to vector<64x256xf32>
    %swap3A_423 = vector.shape_cast %add3A_417 : vector<64x256xf32> to vector<1x64x256xf32>
    tpu.vector_store %arg7[%swap3A_418, %swap3A_419, %swap3A_420], %swap3A_423 {strides = array<i32>} : memref<64x64x256xf32, #tpu.memory_space<vmem>>, vector<1x64x256xf32>,
    %slice3A_424 = vector.extract_strided_slice %get3A_26 {offsets = [22, 0], sizes = [1, 256], strides = [1, 1]} : vector<64x256xf32> to vector<1x256xf32>
    %broadcast_in_dim3A_425 = vector.shape_cast %slice3A_424 : vector<1x256xf32> to vector<1x256xf32>
    %broadcast_in_dim3A_426 = vector.broadcast %broadcast_in_dim3A_425 : vector<1x256xf32> to vector<64x256xf32>
    %slice3A_427 = vector.extract_strided_slice %get3A_29 {offsets = [22, 0], sizes = [1, 256], strides = [1, 1]} : vector<64x256xf32> to vector<1x256xf32>
    %broadcast_in_dim3A_428 = vector.shape_cast %slice3A_427 : vector<1x256xf32> to vector<1x256xf32>
    %broadcast_in_dim3A_429 = vector.broadcast %broadcast_in_dim3A_428 : vector<1x256xf32> to vector<64x256xf32>
    %slice3A_430 = vector.extract_strided_slice %transpose3A_18 {offsets = [0, 22], sizes = [64, 1], strides = [1, 1]} : vector<64x64xf32> to vector<64x1xf32>
    %broadcast_in_dim3A_431 = vector.shape_cast %slice3A_430 : vector<64x1xf32> to vector<64x1xf32>
    %broadcast_in_dim3A_432 = vector.broadcast %broadcast_in_dim3A_431 : vector<64x1xf32> to vector<64x256xf32>
    %mul3A_433 = arith.mulf %broadcast_in_dim3A_20, %broadcast_in_dim3A_426 : vector<64x256xf32>
    %select_n3A_434 = arith.select %eq3A_23, %broadcast_in_dim3A_429, %broadcast_in_dim3A_432 : vector<64x256xi1>, vector<64x256xf32>
    %add3A_435 = arith.addf %mul3A_433, %select_n3A_434 : vector<64x256xf32>
    %swap3A_436 = arith.constant 22 : index
    %swap3A_437 = arith.constant 0 : index
    %swap3A_438 = arith.constant 0 : index
    %swap3A_439 = vector.load %arg7[%swap3A_436, %swap3A_437, %swap3A_438] : memref<64x64x256xf32, #tpu.memory_space<vmem>>, vector<1x64x256xf32>
    %swap3A_440 = vector.shape_cast %swap3A_439 : vector<1x64x256xf32> to vector<64x256xf32>
    %swap3A_441 = vector.shape_cast %add3A_435 : vector<64x256xf32> to vector<1x64x256xf32>
    tpu.vector_store %arg7[%swap3A_436, %swap3A_437, %swap3A_438], %swap3A_441 {strides = array<i32>} : memref<64x64x256xf32, #tpu.memory_space<vmem>>, vector<1x64x256xf32>,
    %slice3A_442 = vector.extract_strided_slice %get3A_26 {offsets = [23, 0], sizes = [1, 256], strides = [1, 1]} : vector<64x256xf32> to vector<1x256xf32>
    %broadcast_in_dim3A_443 = vector.shape_cast %slice3A_442 : vector<1x256xf32> to vector<1x256xf32>
    %broadcast_in_dim3A_444 = vector.broadcast %broadcast_in_dim3A_443 : vector<1x256xf32> to vector<64x256xf32>
    %slice3A_445 = vector.extract_strided_slice %get3A_29 {offsets = [23, 0], sizes = [1, 256], strides = [1, 1]} : vector<64x256xf32> to vector<1x256xf32>
    %broadcast_in_dim3A_446 = vector.shape_cast %slice3A_445 : vector<1x256xf32> to vector<1x256xf32>
    %broadcast_in_dim3A_447 = vector.broadcast %broadcast_in_dim3A_446 : vector<1x256xf32> to vector<64x256xf32>
    %slice3A_448 = vector.extract_strided_slice %transpose3A_18 {offsets = [0, 23], sizes = [64, 1], strides = [1, 1]} : vector<64x64xf32> to vector<64x1xf32>
    %broadcast_in_dim3A_449 = vector.shape_cast %slice3A_448 : vector<64x1xf32> to vector<64x1xf32>
    %broadcast_in_dim3A_450 = vector.broadcast %broadcast_in_dim3A_449 : vector<64x1xf32> to vector<64x256xf32>
    %mul3A_451 = arith.mulf %broadcast_in_dim3A_20, %broadcast_in_dim3A_444 : vector<64x256xf32>
    %select_n3A_452 = arith.select %eq3A_23, %broadcast_in_dim3A_447, %broadcast_in_dim3A_450 : vector<64x256xi1>, vector<64x256xf32>
    %add3A_453 = arith.addf %mul3A_451, %select_n3A_452 : vector<64x256xf32>
    %swap3A_454 = arith.constant 23 : index
    %swap3A_455 = arith.constant 0 : index
    %swap3A_456 = arith.constant 0 : index
    %swap3A_457 = vector.load %arg7[%swap3A_454, %swap3A_455, %swap3A_456] : memref<64x64x256xf32, #tpu.memory_space<vmem>>, vector<1x64x256xf32>
    %swap3A_458 = vector.shape_cast %swap3A_457 : vector<1x64x256xf32> to vector<64x256xf32>
    %swap3A_459 = vector.shape_cast %add3A_453 : vector<64x256xf32> to vector<1x64x256xf32>
    tpu.vector_store %arg7[%swap3A_454, %swap3A_455, %swap3A_456], %swap3A_459 {strides = array<i32>} : memref<64x64x256xf32, #tpu.memory_space<vmem>>, vector<1x64x256xf32>,
    %slice3A_460 = vector.extract_strided_slice %get3A_26 {offsets = [24, 0], sizes = [1, 256], strides = [1, 1]} : vector<64x256xf32> to vector<1x256xf32>
    %broadcast_in_dim3A_461 = vector.shape_cast %slice3A_460 : vector<1x256xf32> to vector<1x256xf32>
    %broadcast_in_dim3A_462 = vector.broadcast %broadcast_in_dim3A_461 : vector<1x256xf32> to vector<64x256xf32>
    %slice3A_463 = vector.extract_strided_slice %get3A_29 {offsets = [24, 0], sizes = [1, 256], strides = [1, 1]} : vector<64x256xf32> to vector<1x256xf32>
    %broadcast_in_dim3A_464 = vector.shape_cast %slice3A_463 : vector<1x256xf32> to vector<1x256xf32>
    %broadcast_in_dim3A_465 = vector.broadcast %broadcast_in_dim3A_464 : vector<1x256xf32> to vector<64x256xf32>
    %slice3A_466 = vector.extract_strided_slice %transpose3A_18 {offsets = [0, 24], sizes = [64, 1], strides = [1, 1]} : vector<64x64xf32> to vector<64x1xf32>
    %broadcast_in_dim3A_467 = vector.shape_cast %slice3A_466 : vector<64x1xf32> to vector<64x1xf32>
    %broadcast_in_dim3A_468 = vector.broadcast %broadcast_in_dim3A_467 : vector<64x1xf32> to vector<64x256xf32>
    %mul3A_469 = arith.mulf %broadcast_in_dim3A_20, %broadcast_in_dim3A_462 : vector<64x256xf32>
    %select_n3A_470 = arith.select %eq3A_23, %broadcast_in_dim3A_465, %broadcast_in_dim3A_468 : vector<64x256xi1>, vector<64x256xf32>
    %add3A_471 = arith.addf %mul3A_469, %select_n3A_470 : vector<64x256xf32>
    %swap3A_472 = arith.constant 24 : index
    %swap3A_473 = arith.constant 0 : index
    %swap3A_474 = arith.constant 0 : index
    %swap3A_475 = vector.load %arg7[%swap3A_472, %swap3A_473, %swap3A_474] : memref<64x64x256xf32, #tpu.memory_space<vmem>>, vector<1x64x256xf32>
    %swap3A_476 = vector.shape_cast %swap3A_475 : vector<1x64x256xf32> to vector<64x256xf32>
    %swap3A_477 = vector.shape_cast %add3A_471 : vector<64x256xf32> to vector<1x64x256xf32>
    tpu.vector_store %arg7[%swap3A_472, %swap3A_473, %swap3A_474], %swap3A_477 {strides = array<i32>} : memref<64x64x256xf32, #tpu.memory_space<vmem>>, vector<1x64x256xf32>,
    %slice3A_478 = vector.extract_strided_slice %get3A_26 {offsets = [25, 0], sizes = [1, 256], strides = [1, 1]} : vector<64x256xf32> to vector<1x256xf32>
    %broadcast_in_dim3A_479 = vector.shape_cast %slice3A_478 : vector<1x256xf32> to vector<1x256xf32>
    %broadcast_in_dim3A_480 = vector.broadcast %broadcast_in_dim3A_479 : vector<1x256xf32> to vector<64x256xf32>
    %slice3A_481 = vector.extract_strided_slice %get3A_29 {offsets = [25, 0], sizes = [1, 256], strides = [1, 1]} : vector<64x256xf32> to vector<1x256xf32>
    %broadcast_in_dim3A_482 = vector.shape_cast %slice3A_481 : vector<1x256xf32> to vector<1x256xf32>
    %broadcast_in_dim3A_483 = vector.broadcast %broadcast_in_dim3A_482 : vector<1x256xf32> to vector<64x256xf32>
    %slice3A_484 = vector.extract_strided_slice %transpose3A_18 {offsets = [0, 25], sizes = [64, 1], strides = [1, 1]} : vector<64x64xf32> to vector<64x1xf32>
    %broadcast_in_dim3A_485 = vector.shape_cast %slice3A_484 : vector<64x1xf32> to vector<64x1xf32>
    %broadcast_in_dim3A_486 = vector.broadcast %broadcast_in_dim3A_485 : vector<64x1xf32> to vector<64x256xf32>
    %mul3A_487 = arith.mulf %broadcast_in_dim3A_20, %broadcast_in_dim3A_480 : vector<64x256xf32>
    %select_n3A_488 = arith.select %eq3A_23, %broadcast_in_dim3A_483, %broadcast_in_dim3A_486 : vector<64x256xi1>, vector<64x256xf32>
    %add3A_489 = arith.addf %mul3A_487, %select_n3A_488 : vector<64x256xf32>
    %swap3A_490 = arith.constant 25 : index
    %swap3A_491 = arith.constant 0 : index
    %swap3A_492 = arith.constant 0 : index
    %swap3A_493 = vector.load %arg7[%swap3A_490, %swap3A_491, %swap3A_492] : memref<64x64x256xf32, #tpu.memory_space<vmem>>, vector<1x64x256xf32>
    %swap3A_494 = vector.shape_cast %swap3A_493 : vector<1x64x256xf32> to vector<64x256xf32>
    %swap3A_495 = vector.shape_cast %add3A_489 : vector<64x256xf32> to vector<1x64x256xf32>
    tpu.vector_store %arg7[%swap3A_490, %swap3A_491, %swap3A_492], %swap3A_495 {strides = array<i32>} : memref<64x64x256xf32, #tpu.memory_space<vmem>>, vector<1x64x256xf32>,
    %slice3A_496 = vector.extract_strided_slice %get3A_26 {offsets = [26, 0], sizes = [1, 256], strides = [1, 1]} : vector<64x256xf32> to vector<1x256xf32>
    %broadcast_in_dim3A_497 = vector.shape_cast %slice3A_496 : vector<1x256xf32> to vector<1x256xf32>
    %broadcast_in_dim3A_498 = vector.broadcast %broadcast_in_dim3A_497 : vector<1x256xf32> to vector<64x256xf32>
    %slice3A_499 = vector.extract_strided_slice %get3A_29 {offsets = [26, 0], sizes = [1, 256], strides = [1, 1]} : vector<64x256xf32> to vector<1x256xf32>
    %broadcast_in_dim3A_500 = vector.shape_cast %slice3A_499 : vector<1x256xf32> to vector<1x256xf32>
    %broadcast_in_dim3A_501 = vector.broadcast %broadcast_in_dim3A_500 : vector<1x256xf32> to vector<64x256xf32>
    %slice3A_502 = vector.extract_strided_slice %transpose3A_18 {offsets = [0, 26], sizes = [64, 1], strides = [1, 1]} : vector<64x64xf32> to vector<64x1xf32>
    %broadcast_in_dim3A_503 = vector.shape_cast %slice3A_502 : vector<64x1xf32> to vector<64x1xf32>
    %broadcast_in_dim3A_504 = vector.broadcast %broadcast_in_dim3A_503 : vector<64x1xf32> to vector<64x256xf32>
    %mul3A_505 = arith.mulf %broadcast_in_dim3A_20, %broadcast_in_dim3A_498 : vector<64x256xf32>
    %select_n3A_506 = arith.select %eq3A_23, %broadcast_in_dim3A_501, %broadcast_in_dim3A_504 : vector<64x256xi1>, vector<64x256xf32>
    %add3A_507 = arith.addf %mul3A_505, %select_n3A_506 : vector<64x256xf32>
    %swap3A_508 = arith.constant 26 : index
    %swap3A_509 = arith.constant 0 : index
    %swap3A_510 = arith.constant 0 : index
    %swap3A_511 = vector.load %arg7[%swap3A_508, %swap3A_509, %swap3A_510] : memref<64x64x256xf32, #tpu.memory_space<vmem>>, vector<1x64x256xf32>
    %swap3A_512 = vector.shape_cast %swap3A_511 : vector<1x64x256xf32> to vector<64x256xf32>
    %swap3A_513 = vector.shape_cast %add3A_507 : vector<64x256xf32> to vector<1x64x256xf32>
    tpu.vector_store %arg7[%swap3A_508, %swap3A_509, %swap3A_510], %swap3A_513 {strides = array<i32>} : memref<64x64x256xf32, #tpu.memory_space<vmem>>, vector<1x64x256xf32>,
    %slice3A_514 = vector.extract_strided_slice %get3A_26 {offsets = [27, 0], sizes = [1, 256], strides = [1, 1]} : vector<64x256xf32> to vector<1x256xf32>
    %broadcast_in_dim3A_515 = vector.shape_cast %slice3A_514 : vector<1x256xf32> to vector<1x256xf32>
    %broadcast_in_dim3A_516 = vector.broadcast %broadcast_in_dim3A_515 : vector<1x256xf32> to vector<64x256xf32>
    %slice3A_517 = vector.extract_strided_slice %get3A_29 {offsets = [27, 0], sizes = [1, 256], strides = [1, 1]} : vector<64x256xf32> to vector<1x256xf32>
    %broadcast_in_dim3A_518 = vector.shape_cast %slice3A_517 : vector<1x256xf32> to vector<1x256xf32>
    %broadcast_in_dim3A_519 = vector.broadcast %broadcast_in_dim3A_518 : vector<1x256xf32> to vector<64x256xf32>
    %slice3A_520 = vector.extract_strided_slice %transpose3A_18 {offsets = [0, 27], sizes = [64, 1], strides = [1, 1]} : vector<64x64xf32> to vector<64x1xf32>
    %broadcast_in_dim3A_521 = vector.shape_cast %slice3A_520 : vector<64x1xf32> to vector<64x1xf32>
    %broadcast_in_dim3A_522 = vector.broadcast %broadcast_in_dim3A_521 : vector<64x1xf32> to vector<64x256xf32>
    %mul3A_523 = arith.mulf %broadcast_in_dim3A_20, %broadcast_in_dim3A_516 : vector<64x256xf32>
    %select_n3A_524 = arith.select %eq3A_23, %broadcast_in_dim3A_519, %broadcast_in_dim3A_522 : vector<64x256xi1>, vector<64x256xf32>
    %add3A_525 = arith.addf %mul3A_523, %select_n3A_524 : vector<64x256xf32>
    %swap3A_526 = arith.constant 27 : index
    %swap3A_527 = arith.constant 0 : index
    %swap3A_528 = arith.constant 0 : index
    %swap3A_529 = vector.load %arg7[%swap3A_526, %swap3A_527, %swap3A_528] : memref<64x64x256xf32, #tpu.memory_space<vmem>>, vector<1x64x256xf32>
    %swap3A_530 = vector.shape_cast %swap3A_529 : vector<1x64x256xf32> to vector<64x256xf32>
    %swap3A_531 = vector.shape_cast %add3A_525 : vector<64x256xf32> to vector<1x64x256xf32>
    tpu.vector_store %arg7[%swap3A_526, %swap3A_527, %swap3A_528], %swap3A_531 {strides = array<i32>} : memref<64x64x256xf32, #tpu.memory_space<vmem>>, vector<1x64x256xf32>,
    %slice3A_532 = vector.extract_strided_slice %get3A_26 {offsets = [28, 0], sizes = [1, 256], strides = [1, 1]} : vector<64x256xf32> to vector<1x256xf32>
    %broadcast_in_dim3A_533 = vector.shape_cast %slice3A_532 : vector<1x256xf32> to vector<1x256xf32>
    %broadcast_in_dim3A_534 = vector.broadcast %broadcast_in_dim3A_533 : vector<1x256xf32> to vector<64x256xf32>
    %slice3A_535 = vector.extract_strided_slice %get3A_29 {offsets = [28, 0], sizes = [1, 256], strides = [1, 1]} : vector<64x256xf32> to vector<1x256xf32>
    %broadcast_in_dim3A_536 = vector.shape_cast %slice3A_535 : vector<1x256xf32> to vector<1x256xf32>
    %broadcast_in_dim3A_537 = vector.broadcast %broadcast_in_dim3A_536 : vector<1x256xf32> to vector<64x256xf32>
    %slice3A_538 = vector.extract_strided_slice %transpose3A_18 {offsets = [0, 28], sizes = [64, 1], strides = [1, 1]} : vector<64x64xf32> to vector<64x1xf32>
    %broadcast_in_dim3A_539 = vector.shape_cast %slice3A_538 : vector<64x1xf32> to vector<64x1xf32>
    %broadcast_in_dim3A_540 = vector.broadcast %broadcast_in_dim3A_539 : vector<64x1xf32> to vector<64x256xf32>
    %mul3A_541 = arith.mulf %broadcast_in_dim3A_20, %broadcast_in_dim3A_534 : vector<64x256xf32>
    %select_n3A_542 = arith.select %eq3A_23, %broadcast_in_dim3A_537, %broadcast_in_dim3A_540 : vector<64x256xi1>, vector<64x256xf32>
    %add3A_543 = arith.addf %mul3A_541, %select_n3A_542 : vector<64x256xf32>
    %swap3A_544 = arith.constant 28 : index
    %swap3A_545 = arith.constant 0 : index
    %swap3A_546 = arith.constant 0 : index
    %swap3A_547 = vector.load %arg7[%swap3A_544, %swap3A_545, %swap3A_546] : memref<64x64x256xf32, #tpu.memory_space<vmem>>, vector<1x64x256xf32>
    %swap3A_548 = vector.shape_cast %swap3A_547 : vector<1x64x256xf32> to vector<64x256xf32>
    %swap3A_549 = vector.shape_cast %add3A_543 : vector<64x256xf32> to vector<1x64x256xf32>
    tpu.vector_store %arg7[%swap3A_544, %swap3A_545, %swap3A_546], %swap3A_549 {strides = array<i32>} : memref<64x64x256xf32, #tpu.memory_space<vmem>>, vector<1x64x256xf32>,
    %slice3A_550 = vector.extract_strided_slice %get3A_26 {offsets = [29, 0], sizes = [1, 256], strides = [1, 1]} : vector<64x256xf32> to vector<1x256xf32>
    %broadcast_in_dim3A_551 = vector.shape_cast %slice3A_550 : vector<1x256xf32> to vector<1x256xf32>
    %broadcast_in_dim3A_552 = vector.broadcast %broadcast_in_dim3A_551 : vector<1x256xf32> to vector<64x256xf32>
    %slice3A_553 = vector.extract_strided_slice %get3A_29 {offsets = [29, 0], sizes = [1, 256], strides = [1, 1]} : vector<64x256xf32> to vector<1x256xf32>
    %broadcast_in_dim3A_554 = vector.shape_cast %slice3A_553 : vector<1x256xf32> to vector<1x256xf32>
    %broadcast_in_dim3A_555 = vector.broadcast %broadcast_in_dim3A_554 : vector<1x256xf32> to vector<64x256xf32>
    %slice3A_556 = vector.extract_strided_slice %transpose3A_18 {offsets = [0, 29], sizes = [64, 1], strides = [1, 1]} : vector<64x64xf32> to vector<64x1xf32>
    %broadcast_in_dim3A_557 = vector.shape_cast %slice3A_556 : vector<64x1xf32> to vector<64x1xf32>
    %broadcast_in_dim3A_558 = vector.broadcast %broadcast_in_dim3A_557 : vector<64x1xf32> to vector<64x256xf32>
    %mul3A_559 = arith.mulf %broadcast_in_dim3A_20, %broadcast_in_dim3A_552 : vector<64x256xf32>
    %select_n3A_560 = arith.select %eq3A_23, %broadcast_in_dim3A_555, %broadcast_in_dim3A_558 : vector<64x256xi1>, vector<64x256xf32>
    %add3A_561 = arith.addf %mul3A_559, %select_n3A_560 : vector<64x256xf32>
    %swap3A_562 = arith.constant 29 : index
    %swap3A_563 = arith.constant 0 : index
    %swap3A_564 = arith.constant 0 : index
    %swap3A_565 = vector.load %arg7[%swap3A_562, %swap3A_563, %swap3A_564] : memref<64x64x256xf32, #tpu.memory_space<vmem>>, vector<1x64x256xf32>
    %swap3A_566 = vector.shape_cast %swap3A_565 : vector<1x64x256xf32> to vector<64x256xf32>
    %swap3A_567 = vector.shape_cast %add3A_561 : vector<64x256xf32> to vector<1x64x256xf32>
    tpu.vector_store %arg7[%swap3A_562, %swap3A_563, %swap3A_564], %swap3A_567 {strides = array<i32>} : memref<64x64x256xf32, #tpu.memory_space<vmem>>, vector<1x64x256xf32>,
    %slice3A_568 = vector.extract_strided_slice %get3A_26 {offsets = [30, 0], sizes = [1, 256], strides = [1, 1]} : vector<64x256xf32> to vector<1x256xf32>
    %broadcast_in_dim3A_569 = vector.shape_cast %slice3A_568 : vector<1x256xf32> to vector<1x256xf32>
    %broadcast_in_dim3A_570 = vector.broadcast %broadcast_in_dim3A_569 : vector<1x256xf32> to vector<64x256xf32>
    %slice3A_571 = vector.extract_strided_slice %get3A_29 {offsets = [30, 0], sizes = [1, 256], strides = [1, 1]} : vector<64x256xf32> to vector<1x256xf32>
    %broadcast_in_dim3A_572 = vector.shape_cast %slice3A_571 : vector<1x256xf32> to vector<1x256xf32>
    %broadcast_in_dim3A_573 = vector.broadcast %broadcast_in_dim3A_572 : vector<1x256xf32> to vector<64x256xf32>
    %slice3A_574 = vector.extract_strided_slice %transpose3A_18 {offsets = [0, 30], sizes = [64, 1], strides = [1, 1]} : vector<64x64xf32> to vector<64x1xf32>
    %broadcast_in_dim3A_575 = vector.shape_cast %slice3A_574 : vector<64x1xf32> to vector<64x1xf32>
    %broadcast_in_dim3A_576 = vector.broadcast %broadcast_in_dim3A_575 : vector<64x1xf32> to vector<64x256xf32>
    %mul3A_577 = arith.mulf %broadcast_in_dim3A_20, %broadcast_in_dim3A_570 : vector<64x256xf32>
    %select_n3A_578 = arith.select %eq3A_23, %broadcast_in_dim3A_573, %broadcast_in_dim3A_576 : vector<64x256xi1>, vector<64x256xf32>
    %add3A_579 = arith.addf %mul3A_577, %select_n3A_578 : vector<64x256xf32>
    %swap3A_580 = arith.constant 30 : index
    %swap3A_581 = arith.constant 0 : index
    %swap3A_582 = arith.constant 0 : index
    %swap3A_583 = vector.load %arg7[%swap3A_580, %swap3A_581, %swap3A_582] : memref<64x64x256xf32, #tpu.memory_space<vmem>>, vector<1x64x256xf32>
    %swap3A_584 = vector.shape_cast %swap3A_583 : vector<1x64x256xf32> to vector<64x256xf32>
    %swap3A_585 = vector.shape_cast %add3A_579 : vector<64x256xf32> to vector<1x64x256xf32>
    tpu.vector_store %arg7[%swap3A_580, %swap3A_581, %swap3A_582], %swap3A_585 {strides = array<i32>} : memref<64x64x256xf32, #tpu.memory_space<vmem>>, vector<1x64x256xf32>,
    %slice3A_586 = vector.extract_strided_slice %get3A_26 {offsets = [31, 0], sizes = [1, 256], strides = [1, 1]} : vector<64x256xf32> to vector<1x256xf32>
    %broadcast_in_dim3A_587 = vector.shape_cast %slice3A_586 : vector<1x256xf32> to vector<1x256xf32>
    %broadcast_in_dim3A_588 = vector.broadcast %broadcast_in_dim3A_587 : vector<1x256xf32> to vector<64x256xf32>
    %slice3A_589 = vector.extract_strided_slice %get3A_29 {offsets = [31, 0], sizes = [1, 256], strides = [1, 1]} : vector<64x256xf32> to vector<1x256xf32>
    %broadcast_in_dim3A_590 = vector.shape_cast %slice3A_589 : vector<1x256xf32> to vector<1x256xf32>
    %broadcast_in_dim3A_591 = vector.broadcast %broadcast_in_dim3A_590 : vector<1x256xf32> to vector<64x256xf32>
    %slice3A_592 = vector.extract_strided_slice %transpose3A_18 {offsets = [0, 31], sizes = [64, 1], strides = [1, 1]} : vector<64x64xf32> to vector<64x1xf32>
    %broadcast_in_dim3A_593 = vector.shape_cast %slice3A_592 : vector<64x1xf32> to vector<64x1xf32>
    %broadcast_in_dim3A_594 = vector.broadcast %broadcast_in_dim3A_593 : vector<64x1xf32> to vector<64x256xf32>
    %mul3A_595 = arith.mulf %broadcast_in_dim3A_20, %broadcast_in_dim3A_588 : vector<64x256xf32>
    %select_n3A_596 = arith.select %eq3A_23, %broadcast_in_dim3A_591, %broadcast_in_dim3A_594 : vector<64x256xi1>, vector<64x256xf32>
    %add3A_597 = arith.addf %mul3A_595, %select_n3A_596 : vector<64x256xf32>
    %swap3A_598 = arith.constant 31 : index
    %swap3A_599 = arith.constant 0 : index
    %swap3A_600 = arith.constant 0 : index
    %swap3A_601 = vector.load %arg7[%swap3A_598, %swap3A_599, %swap3A_600] : memref<64x64x256xf32, #tpu.memory_space<vmem>>, vector<1x64x256xf32>
    %swap3A_602 = vector.shape_cast %swap3A_601 : vector<1x64x256xf32> to vector<64x256xf32>
    %swap3A_603 = vector.shape_cast %add3A_597 : vector<64x256xf32> to vector<1x64x256xf32>
    tpu.vector_store %arg7[%swap3A_598, %swap3A_599, %swap3A_600], %swap3A_603 {strides = array<i32>} : memref<64x64x256xf32, #tpu.memory_space<vmem>>, vector<1x64x256xf32>,
    %slice3A_604 = vector.extract_strided_slice %get3A_26 {offsets = [32, 0], sizes = [1, 256], strides = [1, 1]} : vector<64x256xf32> to vector<1x256xf32>
    %broadcast_in_dim3A_605 = vector.shape_cast %slice3A_604 : vector<1x256xf32> to vector<1x256xf32>
    %broadcast_in_dim3A_606 = vector.broadcast %broadcast_in_dim3A_605 : vector<1x256xf32> to vector<64x256xf32>
    %slice3A_607 = vector.extract_strided_slice %get3A_29 {offsets = [32, 0], sizes = [1, 256], strides = [1, 1]} : vector<64x256xf32> to vector<1x256xf32>
    %broadcast_in_dim3A_608 = vector.shape_cast %slice3A_607 : vector<1x256xf32> to vector<1x256xf32>
    %broadcast_in_dim3A_609 = vector.broadcast %broadcast_in_dim3A_608 : vector<1x256xf32> to vector<64x256xf32>
    %slice3A_610 = vector.extract_strided_slice %transpose3A_18 {offsets = [0, 32], sizes = [64, 1], strides = [1, 1]} : vector<64x64xf32> to vector<64x1xf32>
    %broadcast_in_dim3A_611 = vector.shape_cast %slice3A_610 : vector<64x1xf32> to vector<64x1xf32>
    %broadcast_in_dim3A_612 = vector.broadcast %broadcast_in_dim3A_611 : vector<64x1xf32> to vector<64x256xf32>
    %mul3A_613 = arith.mulf %broadcast_in_dim3A_20, %broadcast_in_dim3A_606 : vector<64x256xf32>
    %select_n3A_614 = arith.select %eq3A_23, %broadcast_in_dim3A_609, %broadcast_in_dim3A_612 : vector<64x256xi1>, vector<64x256xf32>
    %add3A_615 = arith.addf %mul3A_613, %select_n3A_614 : vector<64x256xf32>
    %swap3A_616 = arith.constant 32 : index
    %swap3A_617 = arith.constant 0 : index
    %swap3A_618 = arith.constant 0 : index
    %swap3A_619 = vector.load %arg7[%swap3A_616, %swap3A_617, %swap3A_618] : memref<64x64x256xf32, #tpu.memory_space<vmem>>, vector<1x64x256xf32>
    %swap3A_620 = vector.shape_cast %swap3A_619 : vector<1x64x256xf32> to vector<64x256xf32>
    %swap3A_621 = vector.shape_cast %add3A_615 : vector<64x256xf32> to vector<1x64x256xf32>
    tpu.vector_store %arg7[%swap3A_616, %swap3A_617, %swap3A_618], %swap3A_621 {strides = array<i32>} : memref<64x64x256xf32, #tpu.memory_space<vmem>>, vector<1x64x256xf32>,
    %slice3A_622 = vector.extract_strided_slice %get3A_26 {offsets = [33, 0], sizes = [1, 256], strides = [1, 1]} : vector<64x256xf32> to vector<1x256xf32>
    %broadcast_in_dim3A_623 = vector.shape_cast %slice3A_622 : vector<1x256xf32> to vector<1x256xf32>
    %broadcast_in_dim3A_624 = vector.broadcast %broadcast_in_dim3A_623 : vector<1x256xf32> to vector<64x256xf32>
    %slice3A_625 = vector.extract_strided_slice %get3A_29 {offsets = [33, 0], sizes = [1, 256], strides = [1, 1]} : vector<64x256xf32> to vector<1x256xf32>
    %broadcast_in_dim3A_626 = vector.shape_cast %slice3A_625 : vector<1x256xf32> to vector<1x256xf32>
    %broadcast_in_dim3A_627 = vector.broadcast %broadcast_in_dim3A_626 : vector<1x256xf32> to vector<64x256xf32>
    %slice3A_628 = vector.extract_strided_slice %transpose3A_18 {offsets = [0, 33], sizes = [64, 1], strides = [1, 1]} : vector<64x64xf32> to vector<64x1xf32>
    %broadcast_in_dim3A_629 = vector.shape_cast %slice3A_628 : vector<64x1xf32> to vector<64x1xf32>
    %broadcast_in_dim3A_630 = vector.broadcast %broadcast_in_dim3A_629 : vector<64x1xf32> to vector<64x256xf32>
    %mul3A_631 = arith.mulf %broadcast_in_dim3A_20, %broadcast_in_dim3A_624 : vector<64x256xf32>
    %select_n3A_632 = arith.select %eq3A_23, %broadcast_in_dim3A_627, %broadcast_in_dim3A_630 : vector<64x256xi1>, vector<64x256xf32>
    %add3A_633 = arith.addf %mul3A_631, %select_n3A_632 : vector<64x256xf32>
    %swap3A_634 = arith.constant 33 : index
    %swap3A_635 = arith.constant 0 : index
    %swap3A_636 = arith.constant 0 : index
    %swap3A_637 = vector.load %arg7[%swap3A_634, %swap3A_635, %swap3A_636] : memref<64x64x256xf32, #tpu.memory_space<vmem>>, vector<1x64x256xf32>
    %swap3A_638 = vector.shape_cast %swap3A_637 : vector<1x64x256xf32> to vector<64x256xf32>
    %swap3A_639 = vector.shape_cast %add3A_633 : vector<64x256xf32> to vector<1x64x256xf32>
    tpu.vector_store %arg7[%swap3A_634, %swap3A_635, %swap3A_636], %swap3A_639 {strides = array<i32>} : memref<64x64x256xf32, #tpu.memory_space<vmem>>, vector<1x64x256xf32>,
    %slice3A_640 = vector.extract_strided_slice %get3A_26 {offsets = [34, 0], sizes = [1, 256], strides = [1, 1]} : vector<64x256xf32> to vector<1x256xf32>
    %broadcast_in_dim3A_641 = vector.shape_cast %slice3A_640 : vector<1x256xf32> to vector<1x256xf32>
    %broadcast_in_dim3A_642 = vector.broadcast %broadcast_in_dim3A_641 : vector<1x256xf32> to vector<64x256xf32>
    %slice3A_643 = vector.extract_strided_slice %get3A_29 {offsets = [34, 0], sizes = [1, 256], strides = [1, 1]} : vector<64x256xf32> to vector<1x256xf32>
    %broadcast_in_dim3A_644 = vector.shape_cast %slice3A_643 : vector<1x256xf32> to vector<1x256xf32>
    %broadcast_in_dim3A_645 = vector.broadcast %broadcast_in_dim3A_644 : vector<1x256xf32> to vector<64x256xf32>
    %slice3A_646 = vector.extract_strided_slice %transpose3A_18 {offsets = [0, 34], sizes = [64, 1], strides = [1, 1]} : vector<64x64xf32> to vector<64x1xf32>
    %broadcast_in_dim3A_647 = vector.shape_cast %slice3A_646 : vector<64x1xf32> to vector<64x1xf32>
    %broadcast_in_dim3A_648 = vector.broadcast %broadcast_in_dim3A_647 : vector<64x1xf32> to vector<64x256xf32>
    %mul3A_649 = arith.mulf %broadcast_in_dim3A_20, %broadcast_in_dim3A_642 : vector<64x256xf32>
    %select_n3A_650 = arith.select %eq3A_23, %broadcast_in_dim3A_645, %broadcast_in_dim3A_648 : vector<64x256xi1>, vector<64x256xf32>
    %add3A_651 = arith.addf %mul3A_649, %select_n3A_650 : vector<64x256xf32>
    %swap3A_652 = arith.constant 34 : index
    %swap3A_653 = arith.constant 0 : index
    %swap3A_654 = arith.constant 0 : index
    %swap3A_655 = vector.load %arg7[%swap3A_652, %swap3A_653, %swap3A_654] : memref<64x64x256xf32, #tpu.memory_space<vmem>>, vector<1x64x256xf32>
    %swap3A_656 = vector.shape_cast %swap3A_655 : vector<1x64x256xf32> to vector<64x256xf32>
    %swap3A_657 = vector.shape_cast %add3A_651 : vector<64x256xf32> to vector<1x64x256xf32>
    tpu.vector_store %arg7[%swap3A_652, %swap3A_653, %swap3A_654], %swap3A_657 {strides = array<i32>} : memref<64x64x256xf32, #tpu.memory_space<vmem>>, vector<1x64x256xf32>,
    %slice3A_658 = vector.extract_strided_slice %get3A_26 {offsets = [35, 0], sizes = [1, 256], strides = [1, 1]} : vector<64x256xf32> to vector<1x256xf32>
    %broadcast_in_dim3A_659 = vector.shape_cast %slice3A_658 : vector<1x256xf32> to vector<1x256xf32>
    %broadcast_in_dim3A_660 = vector.broadcast %broadcast_in_dim3A_659 : vector<1x256xf32> to vector<64x256xf32>
    %slice3A_661 = vector.extract_strided_slice %get3A_29 {offsets = [35, 0], sizes = [1, 256], strides = [1, 1]} : vector<64x256xf32> to vector<1x256xf32>
    %broadcast_in_dim3A_662 = vector.shape_cast %slice3A_661 : vector<1x256xf32> to vector<1x256xf32>
    %broadcast_in_dim3A_663 = vector.broadcast %broadcast_in_dim3A_662 : vector<1x256xf32> to vector<64x256xf32>
    %slice3A_664 = vector.extract_strided_slice %transpose3A_18 {offsets = [0, 35], sizes = [64, 1], strides = [1, 1]} : vector<64x64xf32> to vector<64x1xf32>
    %broadcast_in_dim3A_665 = vector.shape_cast %slice3A_664 : vector<64x1xf32> to vector<64x1xf32>
    %broadcast_in_dim3A_666 = vector.broadcast %broadcast_in_dim3A_665 : vector<64x1xf32> to vector<64x256xf32>
    %mul3A_667 = arith.mulf %broadcast_in_dim3A_20, %broadcast_in_dim3A_660 : vector<64x256xf32>
    %select_n3A_668 = arith.select %eq3A_23, %broadcast_in_dim3A_663, %broadcast_in_dim3A_666 : vector<64x256xi1>, vector<64x256xf32>
    %add3A_669 = arith.addf %mul3A_667, %select_n3A_668 : vector<64x256xf32>
    %swap3A_670 = arith.constant 35 : index
    %swap3A_671 = arith.constant 0 : index
    %swap3A_672 = arith.constant 0 : index
    %swap3A_673 = vector.load %arg7[%swap3A_670, %swap3A_671, %swap3A_672] : memref<64x64x256xf32, #tpu.memory_space<vmem>>, vector<1x64x256xf32>
    %swap3A_674 = vector.shape_cast %swap3A_673 : vector<1x64x256xf32> to vector<64x256xf32>
    %swap3A_675 = vector.shape_cast %add3A_669 : vector<64x256xf32> to vector<1x64x256xf32>
    tpu.vector_store %arg7[%swap3A_670, %swap3A_671, %swap3A_672], %swap3A_675 {strides = array<i32>} : memref<64x64x256xf32, #tpu.memory_space<vmem>>, vector<1x64x256xf32>,
    %slice3A_676 = vector.extract_strided_slice %get3A_26 {offsets = [36, 0], sizes = [1, 256], strides = [1, 1]} : vector<64x256xf32> to vector<1x256xf32>
    %broadcast_in_dim3A_677 = vector.shape_cast %slice3A_676 : vector<1x256xf32> to vector<1x256xf32>
    %broadcast_in_dim3A_678 = vector.broadcast %broadcast_in_dim3A_677 : vector<1x256xf32> to vector<64x256xf32>
    %slice3A_679 = vector.extract_strided_slice %get3A_29 {offsets = [36, 0], sizes = [1, 256], strides = [1, 1]} : vector<64x256xf32> to vector<1x256xf32>
    %broadcast_in_dim3A_680 = vector.shape_cast %slice3A_679 : vector<1x256xf32> to vector<1x256xf32>
    %broadcast_in_dim3A_681 = vector.broadcast %broadcast_in_dim3A_680 : vector<1x256xf32> to vector<64x256xf32>
    %slice3A_682 = vector.extract_strided_slice %transpose3A_18 {offsets = [0, 36], sizes = [64, 1], strides = [1, 1]} : vector<64x64xf32> to vector<64x1xf32>
    %broadcast_in_dim3A_683 = vector.shape_cast %slice3A_682 : vector<64x1xf32> to vector<64x1xf32>
    %broadcast_in_dim3A_684 = vector.broadcast %broadcast_in_dim3A_683 : vector<64x1xf32> to vector<64x256xf32>
    %mul3A_685 = arith.mulf %broadcast_in_dim3A_20, %broadcast_in_dim3A_678 : vector<64x256xf32>
    %select_n3A_686 = arith.select %eq3A_23, %broadcast_in_dim3A_681, %broadcast_in_dim3A_684 : vector<64x256xi1>, vector<64x256xf32>
    %add3A_687 = arith.addf %mul3A_685, %select_n3A_686 : vector<64x256xf32>
    %swap3A_688 = arith.constant 36 : index
    %swap3A_689 = arith.constant 0 : index
    %swap3A_690 = arith.constant 0 : index
    %swap3A_691 = vector.load %arg7[%swap3A_688, %swap3A_689, %swap3A_690] : memref<64x64x256xf32, #tpu.memory_space<vmem>>, vector<1x64x256xf32>
    %swap3A_692 = vector.shape_cast %swap3A_691 : vector<1x64x256xf32> to vector<64x256xf32>
    %swap3A_693 = vector.shape_cast %add3A_687 : vector<64x256xf32> to vector<1x64x256xf32>
    tpu.vector_store %arg7[%swap3A_688, %swap3A_689, %swap3A_690], %swap3A_693 {strides = array<i32>} : memref<64x64x256xf32, #tpu.memory_space<vmem>>, vector<1x64x256xf32>,
    %slice3A_694 = vector.extract_strided_slice %get3A_26 {offsets = [37, 0], sizes = [1, 256], strides = [1, 1]} : vector<64x256xf32> to vector<1x256xf32>
    %broadcast_in_dim3A_695 = vector.shape_cast %slice3A_694 : vector<1x256xf32> to vector<1x256xf32>
    %broadcast_in_dim3A_696 = vector.broadcast %broadcast_in_dim3A_695 : vector<1x256xf32> to vector<64x256xf32>
    %slice3A_697 = vector.extract_strided_slice %get3A_29 {offsets = [37, 0], sizes = [1, 256], strides = [1, 1]} : vector<64x256xf32> to vector<1x256xf32>
    %broadcast_in_dim3A_698 = vector.shape_cast %slice3A_697 : vector<1x256xf32> to vector<1x256xf32>
    %broadcast_in_dim3A_699 = vector.broadcast %broadcast_in_dim3A_698 : vector<1x256xf32> to vector<64x256xf32>
    %slice3A_700 = vector.extract_strided_slice %transpose3A_18 {offsets = [0, 37], sizes = [64, 1], strides = [1, 1]} : vector<64x64xf32> to vector<64x1xf32>
    %broadcast_in_dim3A_701 = vector.shape_cast %slice3A_700 : vector<64x1xf32> to vector<64x1xf32>
    %broadcast_in_dim3A_702 = vector.broadcast %broadcast_in_dim3A_701 : vector<64x1xf32> to vector<64x256xf32>
    %mul3A_703 = arith.mulf %broadcast_in_dim3A_20, %broadcast_in_dim3A_696 : vector<64x256xf32>
    %select_n3A_704 = arith.select %eq3A_23, %broadcast_in_dim3A_699, %broadcast_in_dim3A_702 : vector<64x256xi1>, vector<64x256xf32>
    %add3A_705 = arith.addf %mul3A_703, %select_n3A_704 : vector<64x256xf32>
    %swap3A_706 = arith.constant 37 : index
    %swap3A_707 = arith.constant 0 : index
    %swap3A_708 = arith.constant 0 : index
    %swap3A_709 = vector.load %arg7[%swap3A_706, %swap3A_707, %swap3A_708] : memref<64x64x256xf32, #tpu.memory_space<vmem>>, vector<1x64x256xf32>
    %swap3A_710 = vector.shape_cast %swap3A_709 : vector<1x64x256xf32> to vector<64x256xf32>
    %swap3A_711 = vector.shape_cast %add3A_705 : vector<64x256xf32> to vector<1x64x256xf32>
    tpu.vector_store %arg7[%swap3A_706, %swap3A_707, %swap3A_708], %swap3A_711 {strides = array<i32>} : memref<64x64x256xf32, #tpu.memory_space<vmem>>, vector<1x64x256xf32>,
    %slice3A_712 = vector.extract_strided_slice %get3A_26 {offsets = [38, 0], sizes = [1, 256], strides = [1, 1]} : vector<64x256xf32> to vector<1x256xf32>
    %broadcast_in_dim3A_713 = vector.shape_cast %slice3A_712 : vector<1x256xf32> to vector<1x256xf32>
    %broadcast_in_dim3A_714 = vector.broadcast %broadcast_in_dim3A_713 : vector<1x256xf32> to vector<64x256xf32>
    %slice3A_715 = vector.extract_strided_slice %get3A_29 {offsets = [38, 0], sizes = [1, 256], strides = [1, 1]} : vector<64x256xf32> to vector<1x256xf32>
    %broadcast_in_dim3A_716 = vector.shape_cast %slice3A_715 : vector<1x256xf32> to vector<1x256xf32>
    %broadcast_in_dim3A_717 = vector.broadcast %broadcast_in_dim3A_716 : vector<1x256xf32> to vector<64x256xf32>
    %slice3A_718 = vector.extract_strided_slice %transpose3A_18 {offsets = [0, 38], sizes = [64, 1], strides = [1, 1]} : vector<64x64xf32> to vector<64x1xf32>
    %broadcast_in_dim3A_719 = vector.shape_cast %slice3A_718 : vector<64x1xf32> to vector<64x1xf32>
    %broadcast_in_dim3A_720 = vector.broadcast %broadcast_in_dim3A_719 : vector<64x1xf32> to vector<64x256xf32>
    %mul3A_721 = arith.mulf %broadcast_in_dim3A_20, %broadcast_in_dim3A_714 : vector<64x256xf32>
    %select_n3A_722 = arith.select %eq3A_23, %broadcast_in_dim3A_717, %broadcast_in_dim3A_720 : vector<64x256xi1>, vector<64x256xf32>
    %add3A_723 = arith.addf %mul3A_721, %select_n3A_722 : vector<64x256xf32>
    %swap3A_724 = arith.constant 38 : index
    %swap3A_725 = arith.constant 0 : index
    %swap3A_726 = arith.constant 0 : index
    %swap3A_727 = vector.load %arg7[%swap3A_724, %swap3A_725, %swap3A_726] : memref<64x64x256xf32, #tpu.memory_space<vmem>>, vector<1x64x256xf32>
    %swap3A_728 = vector.shape_cast %swap3A_727 : vector<1x64x256xf32> to vector<64x256xf32>
    %swap3A_729 = vector.shape_cast %add3A_723 : vector<64x256xf32> to vector<1x64x256xf32>
    tpu.vector_store %arg7[%swap3A_724, %swap3A_725, %swap3A_726], %swap3A_729 {strides = array<i32>} : memref<64x64x256xf32, #tpu.memory_space<vmem>>, vector<1x64x256xf32>,
    %slice3A_730 = vector.extract_strided_slice %get3A_26 {offsets = [39, 0], sizes = [1, 256], strides = [1, 1]} : vector<64x256xf32> to vector<1x256xf32>
    %broadcast_in_dim3A_731 = vector.shape_cast %slice3A_730 : vector<1x256xf32> to vector<1x256xf32>
    %broadcast_in_dim3A_732 = vector.broadcast %broadcast_in_dim3A_731 : vector<1x256xf32> to vector<64x256xf32>
    %slice3A_733 = vector.extract_strided_slice %get3A_29 {offsets = [39, 0], sizes = [1, 256], strides = [1, 1]} : vector<64x256xf32> to vector<1x256xf32>
    %broadcast_in_dim3A_734 = vector.shape_cast %slice3A_733 : vector<1x256xf32> to vector<1x256xf32>
    %broadcast_in_dim3A_735 = vector.broadcast %broadcast_in_dim3A_734 : vector<1x256xf32> to vector<64x256xf32>
    %slice3A_736 = vector.extract_strided_slice %transpose3A_18 {offsets = [0, 39], sizes = [64, 1], strides = [1, 1]} : vector<64x64xf32> to vector<64x1xf32>
    %broadcast_in_dim3A_737 = vector.shape_cast %slice3A_736 : vector<64x1xf32> to vector<64x1xf32>
    %broadcast_in_dim3A_738 = vector.broadcast %broadcast_in_dim3A_737 : vector<64x1xf32> to vector<64x256xf32>
    %mul3A_739 = arith.mulf %broadcast_in_dim3A_20, %broadcast_in_dim3A_732 : vector<64x256xf32>
    %select_n3A_740 = arith.select %eq3A_23, %broadcast_in_dim3A_735, %broadcast_in_dim3A_738 : vector<64x256xi1>, vector<64x256xf32>
    %add3A_741 = arith.addf %mul3A_739, %select_n3A_740 : vector<64x256xf32>
    %swap3A_742 = arith.constant 39 : index
    %swap3A_743 = arith.constant 0 : index
    %swap3A_744 = arith.constant 0 : index
    %swap3A_745 = vector.load %arg7[%swap3A_742, %swap3A_743, %swap3A_744] : memref<64x64x256xf32, #tpu.memory_space<vmem>>, vector<1x64x256xf32>
    %swap3A_746 = vector.shape_cast %swap3A_745 : vector<1x64x256xf32> to vector<64x256xf32>
    %swap3A_747 = vector.shape_cast %add3A_741 : vector<64x256xf32> to vector<1x64x256xf32>
    tpu.vector_store %arg7[%swap3A_742, %swap3A_743, %swap3A_744], %swap3A_747 {strides = array<i32>} : memref<64x64x256xf32, #tpu.memory_space<vmem>>, vector<1x64x256xf32>,
    %slice3A_748 = vector.extract_strided_slice %get3A_26 {offsets = [40, 0], sizes = [1, 256], strides = [1, 1]} : vector<64x256xf32> to vector<1x256xf32>
    %broadcast_in_dim3A_749 = vector.shape_cast %slice3A_748 : vector<1x256xf32> to vector<1x256xf32>
    %broadcast_in_dim3A_750 = vector.broadcast %broadcast_in_dim3A_749 : vector<1x256xf32> to vector<64x256xf32>
    %slice3A_751 = vector.extract_strided_slice %get3A_29 {offsets = [40, 0], sizes = [1, 256], strides = [1, 1]} : vector<64x256xf32> to vector<1x256xf32>
    %broadcast_in_dim3A_752 = vector.shape_cast %slice3A_751 : vector<1x256xf32> to vector<1x256xf32>
    %broadcast_in_dim3A_753 = vector.broadcast %broadcast_in_dim3A_752 : vector<1x256xf32> to vector<64x256xf32>
    %slice3A_754 = vector.extract_strided_slice %transpose3A_18 {offsets = [0, 40], sizes = [64, 1], strides = [1, 1]} : vector<64x64xf32> to vector<64x1xf32>
    %broadcast_in_dim3A_755 = vector.shape_cast %slice3A_754 : vector<64x1xf32> to vector<64x1xf32>
    %broadcast_in_dim3A_756 = vector.broadcast %broadcast_in_dim3A_755 : vector<64x1xf32> to vector<64x256xf32>
    %mul3A_757 = arith.mulf %broadcast_in_dim3A_20, %broadcast_in_dim3A_750 : vector<64x256xf32>
    %select_n3A_758 = arith.select %eq3A_23, %broadcast_in_dim3A_753, %broadcast_in_dim3A_756 : vector<64x256xi1>, vector<64x256xf32>
    %add3A_759 = arith.addf %mul3A_757, %select_n3A_758 : vector<64x256xf32>
    %swap3A_760 = arith.constant 40 : index
    %swap3A_761 = arith.constant 0 : index
    %swap3A_762 = arith.constant 0 : index
    %swap3A_763 = vector.load %arg7[%swap3A_760, %swap3A_761, %swap3A_762] : memref<64x64x256xf32, #tpu.memory_space<vmem>>, vector<1x64x256xf32>
    %swap3A_764 = vector.shape_cast %swap3A_763 : vector<1x64x256xf32> to vector<64x256xf32>
    %swap3A_765 = vector.shape_cast %add3A_759 : vector<64x256xf32> to vector<1x64x256xf32>
    tpu.vector_store %arg7[%swap3A_760, %swap3A_761, %swap3A_762], %swap3A_765 {strides = array<i32>} : memref<64x64x256xf32, #tpu.memory_space<vmem>>, vector<1x64x256xf32>,
    %slice3A_766 = vector.extract_strided_slice %get3A_26 {offsets = [41, 0], sizes = [1, 256], strides = [1, 1]} : vector<64x256xf32> to vector<1x256xf32>
    %broadcast_in_dim3A_767 = vector.shape_cast %slice3A_766 : vector<1x256xf32> to vector<1x256xf32>
    %broadcast_in_dim3A_768 = vector.broadcast %broadcast_in_dim3A_767 : vector<1x256xf32> to vector<64x256xf32>
    %slice3A_769 = vector.extract_strided_slice %get3A_29 {offsets = [41, 0], sizes = [1, 256], strides = [1, 1]} : vector<64x256xf32> to vector<1x256xf32>
    %broadcast_in_dim3A_770 = vector.shape_cast %slice3A_769 : vector<1x256xf32> to vector<1x256xf32>
    %broadcast_in_dim3A_771 = vector.broadcast %broadcast_in_dim3A_770 : vector<1x256xf32> to vector<64x256xf32>
    %slice3A_772 = vector.extract_strided_slice %transpose3A_18 {offsets = [0, 41], sizes = [64, 1], strides = [1, 1]} : vector<64x64xf32> to vector<64x1xf32>
    %broadcast_in_dim3A_773 = vector.shape_cast %slice3A_772 : vector<64x1xf32> to vector<64x1xf32>
    %broadcast_in_dim3A_774 = vector.broadcast %broadcast_in_dim3A_773 : vector<64x1xf32> to vector<64x256xf32>
    %mul3A_775 = arith.mulf %broadcast_in_dim3A_20, %broadcast_in_dim3A_768 : vector<64x256xf32>
    %select_n3A_776 = arith.select %eq3A_23, %broadcast_in_dim3A_771, %broadcast_in_dim3A_774 : vector<64x256xi1>, vector<64x256xf32>
    %add3A_777 = arith.addf %mul3A_775, %select_n3A_776 : vector<64x256xf32>
    %swap3A_778 = arith.constant 41 : index
    %swap3A_779 = arith.constant 0 : index
    %swap3A_780 = arith.constant 0 : index
    %swap3A_781 = vector.load %arg7[%swap3A_778, %swap3A_779, %swap3A_780] : memref<64x64x256xf32, #tpu.memory_space<vmem>>, vector<1x64x256xf32>
    %swap3A_782 = vector.shape_cast %swap3A_781 : vector<1x64x256xf32> to vector<64x256xf32>
    %swap3A_783 = vector.shape_cast %add3A_777 : vector<64x256xf32> to vector<1x64x256xf32>
    tpu.vector_store %arg7[%swap3A_778, %swap3A_779, %swap3A_780], %swap3A_783 {strides = array<i32>} : memref<64x64x256xf32, #tpu.memory_space<vmem>>, vector<1x64x256xf32>,
    %slice3A_784 = vector.extract_strided_slice %get3A_26 {offsets = [42, 0], sizes = [1, 256], strides = [1, 1]} : vector<64x256xf32> to vector<1x256xf32>
    %broadcast_in_dim3A_785 = vector.shape_cast %slice3A_784 : vector<1x256xf32> to vector<1x256xf32>
    %broadcast_in_dim3A_786 = vector.broadcast %broadcast_in_dim3A_785 : vector<1x256xf32> to vector<64x256xf32>
    %slice3A_787 = vector.extract_strided_slice %get3A_29 {offsets = [42, 0], sizes = [1, 256], strides = [1, 1]} : vector<64x256xf32> to vector<1x256xf32>
    %broadcast_in_dim3A_788 = vector.shape_cast %slice3A_787 : vector<1x256xf32> to vector<1x256xf32>
    %broadcast_in_dim3A_789 = vector.broadcast %broadcast_in_dim3A_788 : vector<1x256xf32> to vector<64x256xf32>
    %slice3A_790 = vector.extract_strided_slice %transpose3A_18 {offsets = [0, 42], sizes = [64, 1], strides = [1, 1]} : vector<64x64xf32> to vector<64x1xf32>
    %broadcast_in_dim3A_791 = vector.shape_cast %slice3A_790 : vector<64x1xf32> to vector<64x1xf32>
    %broadcast_in_dim3A_792 = vector.broadcast %broadcast_in_dim3A_791 : vector<64x1xf32> to vector<64x256xf32>
    %mul3A_793 = arith.mulf %broadcast_in_dim3A_20, %broadcast_in_dim3A_786 : vector<64x256xf32>
    %select_n3A_794 = arith.select %eq3A_23, %broadcast_in_dim3A_789, %broadcast_in_dim3A_792 : vector<64x256xi1>, vector<64x256xf32>
    %add3A_795 = arith.addf %mul3A_793, %select_n3A_794 : vector<64x256xf32>
    %swap3A_796 = arith.constant 42 : index
    %swap3A_797 = arith.constant 0 : index
    %swap3A_798 = arith.constant 0 : index
    %swap3A_799 = vector.load %arg7[%swap3A_796, %swap3A_797, %swap3A_798] : memref<64x64x256xf32, #tpu.memory_space<vmem>>, vector<1x64x256xf32>
    %swap3A_800 = vector.shape_cast %swap3A_799 : vector<1x64x256xf32> to vector<64x256xf32>
    %swap3A_801 = vector.shape_cast %add3A_795 : vector<64x256xf32> to vector<1x64x256xf32>
    tpu.vector_store %arg7[%swap3A_796, %swap3A_797, %swap3A_798], %swap3A_801 {strides = array<i32>} : memref<64x64x256xf32, #tpu.memory_space<vmem>>, vector<1x64x256xf32>,
    %slice3A_802 = vector.extract_strided_slice %get3A_26 {offsets = [43, 0], sizes = [1, 256], strides = [1, 1]} : vector<64x256xf32> to vector<1x256xf32>
    %broadcast_in_dim3A_803 = vector.shape_cast %slice3A_802 : vector<1x256xf32> to vector<1x256xf32>
    %broadcast_in_dim3A_804 = vector.broadcast %broadcast_in_dim3A_803 : vector<1x256xf32> to vector<64x256xf32>
    %slice3A_805 = vector.extract_strided_slice %get3A_29 {offsets = [43, 0], sizes = [1, 256], strides = [1, 1]} : vector<64x256xf32> to vector<1x256xf32>
    %broadcast_in_dim3A_806 = vector.shape_cast %slice3A_805 : vector<1x256xf32> to vector<1x256xf32>
    %broadcast_in_dim3A_807 = vector.broadcast %broadcast_in_dim3A_806 : vector<1x256xf32> to vector<64x256xf32>
    %slice3A_808 = vector.extract_strided_slice %transpose3A_18 {offsets = [0, 43], sizes = [64, 1], strides = [1, 1]} : vector<64x64xf32> to vector<64x1xf32>
    %broadcast_in_dim3A_809 = vector.shape_cast %slice3A_808 : vector<64x1xf32> to vector<64x1xf32>
    %broadcast_in_dim3A_810 = vector.broadcast %broadcast_in_dim3A_809 : vector<64x1xf32> to vector<64x256xf32>
    %mul3A_811 = arith.mulf %broadcast_in_dim3A_20, %broadcast_in_dim3A_804 : vector<64x256xf32>
    %select_n3A_812 = arith.select %eq3A_23, %broadcast_in_dim3A_807, %broadcast_in_dim3A_810 : vector<64x256xi1>, vector<64x256xf32>
    %add3A_813 = arith.addf %mul3A_811, %select_n3A_812 : vector<64x256xf32>
    %swap3A_814 = arith.constant 43 : index
    %swap3A_815 = arith.constant 0 : index
    %swap3A_816 = arith.constant 0 : index
    %swap3A_817 = vector.load %arg7[%swap3A_814, %swap3A_815, %swap3A_816] : memref<64x64x256xf32, #tpu.memory_space<vmem>>, vector<1x64x256xf32>
    %swap3A_818 = vector.shape_cast %swap3A_817 : vector<1x64x256xf32> to vector<64x256xf32>
    %swap3A_819 = vector.shape_cast %add3A_813 : vector<64x256xf32> to vector<1x64x256xf32>
    tpu.vector_store %arg7[%swap3A_814, %swap3A_815, %swap3A_816], %swap3A_819 {strides = array<i32>} : memref<64x64x256xf32, #tpu.memory_space<vmem>>, vector<1x64x256xf32>,
    %slice3A_820 = vector.extract_strided_slice %get3A_26 {offsets = [44, 0], sizes = [1, 256], strides = [1, 1]} : vector<64x256xf32> to vector<1x256xf32>
    %broadcast_in_dim3A_821 = vector.shape_cast %slice3A_820 : vector<1x256xf32> to vector<1x256xf32>
    %broadcast_in_dim3A_822 = vector.broadcast %broadcast_in_dim3A_821 : vector<1x256xf32> to vector<64x256xf32>
    %slice3A_823 = vector.extract_strided_slice %get3A_29 {offsets = [44, 0], sizes = [1, 256], strides = [1, 1]} : vector<64x256xf32> to vector<1x256xf32>
    %broadcast_in_dim3A_824 = vector.shape_cast %slice3A_823 : vector<1x256xf32> to vector<1x256xf32>
    %broadcast_in_dim3A_825 = vector.broadcast %broadcast_in_dim3A_824 : vector<1x256xf32> to vector<64x256xf32>
    %slice3A_826 = vector.extract_strided_slice %transpose3A_18 {offsets = [0, 44], sizes = [64, 1], strides = [1, 1]} : vector<64x64xf32> to vector<64x1xf32>
    %broadcast_in_dim3A_827 = vector.shape_cast %slice3A_826 : vector<64x1xf32> to vector<64x1xf32>
    %broadcast_in_dim3A_828 = vector.broadcast %broadcast_in_dim3A_827 : vector<64x1xf32> to vector<64x256xf32>
    %mul3A_829 = arith.mulf %broadcast_in_dim3A_20, %broadcast_in_dim3A_822 : vector<64x256xf32>
    %select_n3A_830 = arith.select %eq3A_23, %broadcast_in_dim3A_825, %broadcast_in_dim3A_828 : vector<64x256xi1>, vector<64x256xf32>
    %add3A_831 = arith.addf %mul3A_829, %select_n3A_830 : vector<64x256xf32>
    %swap3A_832 = arith.constant 44 : index
    %swap3A_833 = arith.constant 0 : index
    %swap3A_834 = arith.constant 0 : index
    %swap3A_835 = vector.load %arg7[%swap3A_832, %swap3A_833, %swap3A_834] : memref<64x64x256xf32, #tpu.memory_space<vmem>>, vector<1x64x256xf32>
    %swap3A_836 = vector.shape_cast %swap3A_835 : vector<1x64x256xf32> to vector<64x256xf32>
    %swap3A_837 = vector.shape_cast %add3A_831 : vector<64x256xf32> to vector<1x64x256xf32>
    tpu.vector_store %arg7[%swap3A_832, %swap3A_833, %swap3A_834], %swap3A_837 {strides = array<i32>} : memref<64x64x256xf32, #tpu.memory_space<vmem>>, vector<1x64x256xf32>,
    %slice3A_838 = vector.extract_strided_slice %get3A_26 {offsets = [45, 0], sizes = [1, 256], strides = [1, 1]} : vector<64x256xf32> to vector<1x256xf32>
    %broadcast_in_dim3A_839 = vector.shape_cast %slice3A_838 : vector<1x256xf32> to vector<1x256xf32>
    %broadcast_in_dim3A_840 = vector.broadcast %broadcast_in_dim3A_839 : vector<1x256xf32> to vector<64x256xf32>
    %slice3A_841 = vector.extract_strided_slice %get3A_29 {offsets = [45, 0], sizes = [1, 256], strides = [1, 1]} : vector<64x256xf32> to vector<1x256xf32>
    %broadcast_in_dim3A_842 = vector.shape_cast %slice3A_841 : vector<1x256xf32> to vector<1x256xf32>
    %broadcast_in_dim3A_843 = vector.broadcast %broadcast_in_dim3A_842 : vector<1x256xf32> to vector<64x256xf32>
    %slice3A_844 = vector.extract_strided_slice %transpose3A_18 {offsets = [0, 45], sizes = [64, 1], strides = [1, 1]} : vector<64x64xf32> to vector<64x1xf32>
    %broadcast_in_dim3A_845 = vector.shape_cast %slice3A_844 : vector<64x1xf32> to vector<64x1xf32>
    %broadcast_in_dim3A_846 = vector.broadcast %broadcast_in_dim3A_845 : vector<64x1xf32> to vector<64x256xf32>
    %mul3A_847 = arith.mulf %broadcast_in_dim3A_20, %broadcast_in_dim3A_840 : vector<64x256xf32>
    %select_n3A_848 = arith.select %eq3A_23, %broadcast_in_dim3A_843, %broadcast_in_dim3A_846 : vector<64x256xi1>, vector<64x256xf32>
    %add3A_849 = arith.addf %mul3A_847, %select_n3A_848 : vector<64x256xf32>
    %swap3A_850 = arith.constant 45 : index
    %swap3A_851 = arith.constant 0 : index
    %swap3A_852 = arith.constant 0 : index
    %swap3A_853 = vector.load %arg7[%swap3A_850, %swap3A_851, %swap3A_852] : memref<64x64x256xf32, #tpu.memory_space<vmem>>, vector<1x64x256xf32>
    %swap3A_854 = vector.shape_cast %swap3A_853 : vector<1x64x256xf32> to vector<64x256xf32>
    %swap3A_855 = vector.shape_cast %add3A_849 : vector<64x256xf32> to vector<1x64x256xf32>
    tpu.vector_store %arg7[%swap3A_850, %swap3A_851, %swap3A_852], %swap3A_855 {strides = array<i32>} : memref<64x64x256xf32, #tpu.memory_space<vmem>>, vector<1x64x256xf32>,
    %slice3A_856 = vector.extract_strided_slice %get3A_26 {offsets = [46, 0], sizes = [1, 256], strides = [1, 1]} : vector<64x256xf32> to vector<1x256xf32>
    %broadcast_in_dim3A_857 = vector.shape_cast %slice3A_856 : vector<1x256xf32> to vector<1x256xf32>
    %broadcast_in_dim3A_858 = vector.broadcast %broadcast_in_dim3A_857 : vector<1x256xf32> to vector<64x256xf32>
    %slice3A_859 = vector.extract_strided_slice %get3A_29 {offsets = [46, 0], sizes = [1, 256], strides = [1, 1]} : vector<64x256xf32> to vector<1x256xf32>
    %broadcast_in_dim3A_860 = vector.shape_cast %slice3A_859 : vector<1x256xf32> to vector<1x256xf32>
    %broadcast_in_dim3A_861 = vector.broadcast %broadcast_in_dim3A_860 : vector<1x256xf32> to vector<64x256xf32>
    %slice3A_862 = vector.extract_strided_slice %transpose3A_18 {offsets = [0, 46], sizes = [64, 1], strides = [1, 1]} : vector<64x64xf32> to vector<64x1xf32>
    %broadcast_in_dim3A_863 = vector.shape_cast %slice3A_862 : vector<64x1xf32> to vector<64x1xf32>
    %broadcast_in_dim3A_864 = vector.broadcast %broadcast_in_dim3A_863 : vector<64x1xf32> to vector<64x256xf32>
    %mul3A_865 = arith.mulf %broadcast_in_dim3A_20, %broadcast_in_dim3A_858 : vector<64x256xf32>
    %select_n3A_866 = arith.select %eq3A_23, %broadcast_in_dim3A_861, %broadcast_in_dim3A_864 : vector<64x256xi1>, vector<64x256xf32>
    %add3A_867 = arith.addf %mul3A_865, %select_n3A_866 : vector<64x256xf32>
    %swap3A_868 = arith.constant 46 : index
    %swap3A_869 = arith.constant 0 : index
    %swap3A_870 = arith.constant 0 : index
    %swap3A_871 = vector.load %arg7[%swap3A_868, %swap3A_869, %swap3A_870] : memref<64x64x256xf32, #tpu.memory_space<vmem>>, vector<1x64x256xf32>
    %swap3A_872 = vector.shape_cast %swap3A_871 : vector<1x64x256xf32> to vector<64x256xf32>
    %swap3A_873 = vector.shape_cast %add3A_867 : vector<64x256xf32> to vector<1x64x256xf32>
    tpu.vector_store %arg7[%swap3A_868, %swap3A_869, %swap3A_870], %swap3A_873 {strides = array<i32>} : memref<64x64x256xf32, #tpu.memory_space<vmem>>, vector<1x64x256xf32>,
    %slice3A_874 = vector.extract_strided_slice %get3A_26 {offsets = [47, 0], sizes = [1, 256], strides = [1, 1]} : vector<64x256xf32> to vector<1x256xf32>
    %broadcast_in_dim3A_875 = vector.shape_cast %slice3A_874 : vector<1x256xf32> to vector<1x256xf32>
    %broadcast_in_dim3A_876 = vector.broadcast %broadcast_in_dim3A_875 : vector<1x256xf32> to vector<64x256xf32>
    %slice3A_877 = vector.extract_strided_slice %get3A_29 {offsets = [47, 0], sizes = [1, 256], strides = [1, 1]} : vector<64x256xf32> to vector<1x256xf32>
    %broadcast_in_dim3A_878 = vector.shape_cast %slice3A_877 : vector<1x256xf32> to vector<1x256xf32>
    %broadcast_in_dim3A_879 = vector.broadcast %broadcast_in_dim3A_878 : vector<1x256xf32> to vector<64x256xf32>
    %slice3A_880 = vector.extract_strided_slice %transpose3A_18 {offsets = [0, 47], sizes = [64, 1], strides = [1, 1]} : vector<64x64xf32> to vector<64x1xf32>
    %broadcast_in_dim3A_881 = vector.shape_cast %slice3A_880 : vector<64x1xf32> to vector<64x1xf32>
    %broadcast_in_dim3A_882 = vector.broadcast %broadcast_in_dim3A_881 : vector<64x1xf32> to vector<64x256xf32>
    %mul3A_883 = arith.mulf %broadcast_in_dim3A_20, %broadcast_in_dim3A_876 : vector<64x256xf32>
    %select_n3A_884 = arith.select %eq3A_23, %broadcast_in_dim3A_879, %broadcast_in_dim3A_882 : vector<64x256xi1>, vector<64x256xf32>
    %add3A_885 = arith.addf %mul3A_883, %select_n3A_884 : vector<64x256xf32>
    %swap3A_886 = arith.constant 47 : index
    %swap3A_887 = arith.constant 0 : index
    %swap3A_888 = arith.constant 0 : index
    %swap3A_889 = vector.load %arg7[%swap3A_886, %swap3A_887, %swap3A_888] : memref<64x64x256xf32, #tpu.memory_space<vmem>>, vector<1x64x256xf32>
    %swap3A_890 = vector.shape_cast %swap3A_889 : vector<1x64x256xf32> to vector<64x256xf32>
    %swap3A_891 = vector.shape_cast %add3A_885 : vector<64x256xf32> to vector<1x64x256xf32>
    tpu.vector_store %arg7[%swap3A_886, %swap3A_887, %swap3A_888], %swap3A_891 {strides = array<i32>} : memref<64x64x256xf32, #tpu.memory_space<vmem>>, vector<1x64x256xf32>,
    %slice3A_892 = vector.extract_strided_slice %get3A_26 {offsets = [48, 0], sizes = [1, 256], strides = [1, 1]} : vector<64x256xf32> to vector<1x256xf32>
    %broadcast_in_dim3A_893 = vector.shape_cast %slice3A_892 : vector<1x256xf32> to vector<1x256xf32>
    %broadcast_in_dim3A_894 = vector.broadcast %broadcast_in_dim3A_893 : vector<1x256xf32> to vector<64x256xf32>
    %slice3A_895 = vector.extract_strided_slice %get3A_29 {offsets = [48, 0], sizes = [1, 256], strides = [1, 1]} : vector<64x256xf32> to vector<1x256xf32>
    %broadcast_in_dim3A_896 = vector.shape_cast %slice3A_895 : vector<1x256xf32> to vector<1x256xf32>
    %broadcast_in_dim3A_897 = vector.broadcast %broadcast_in_dim3A_896 : vector<1x256xf32> to vector<64x256xf32>
    %slice3A_898 = vector.extract_strided_slice %transpose3A_18 {offsets = [0, 48], sizes = [64, 1], strides = [1, 1]} : vector<64x64xf32> to vector<64x1xf32>
    %broadcast_in_dim3A_899 = vector.shape_cast %slice3A_898 : vector<64x1xf32> to vector<64x1xf32>
    %broadcast_in_dim3A_900 = vector.broadcast %broadcast_in_dim3A_899 : vector<64x1xf32> to vector<64x256xf32>
    %mul3A_901 = arith.mulf %broadcast_in_dim3A_20, %broadcast_in_dim3A_894 : vector<64x256xf32>
    %select_n3A_902 = arith.select %eq3A_23, %broadcast_in_dim3A_897, %broadcast_in_dim3A_900 : vector<64x256xi1>, vector<64x256xf32>
    %add3A_903 = arith.addf %mul3A_901, %select_n3A_902 : vector<64x256xf32>
    %swap3A_904 = arith.constant 48 : index
    %swap3A_905 = arith.constant 0 : index
    %swap3A_906 = arith.constant 0 : index
    %swap3A_907 = vector.load %arg7[%swap3A_904, %swap3A_905, %swap3A_906] : memref<64x64x256xf32, #tpu.memory_space<vmem>>, vector<1x64x256xf32>
    %swap3A_908 = vector.shape_cast %swap3A_907 : vector<1x64x256xf32> to vector<64x256xf32>
    %swap3A_909 = vector.shape_cast %add3A_903 : vector<64x256xf32> to vector<1x64x256xf32>
    tpu.vector_store %arg7[%swap3A_904, %swap3A_905, %swap3A_906], %swap3A_909 {strides = array<i32>} : memref<64x64x256xf32, #tpu.memory_space<vmem>>, vector<1x64x256xf32>,
    %slice3A_910 = vector.extract_strided_slice %get3A_26 {offsets = [49, 0], sizes = [1, 256], strides = [1, 1]} : vector<64x256xf32> to vector<1x256xf32>
    %broadcast_in_dim3A_911 = vector.shape_cast %slice3A_910 : vector<1x256xf32> to vector<1x256xf32>
    %broadcast_in_dim3A_912 = vector.broadcast %broadcast_in_dim3A_911 : vector<1x256xf32> to vector<64x256xf32>
    %slice3A_913 = vector.extract_strided_slice %get3A_29 {offsets = [49, 0], sizes = [1, 256], strides = [1, 1]} : vector<64x256xf32> to vector<1x256xf32>
    %broadcast_in_dim3A_914 = vector.shape_cast %slice3A_913 : vector<1x256xf32> to vector<1x256xf32>
    %broadcast_in_dim3A_915 = vector.broadcast %broadcast_in_dim3A_914 : vector<1x256xf32> to vector<64x256xf32>
    %slice3A_916 = vector.extract_strided_slice %transpose3A_18 {offsets = [0, 49], sizes = [64, 1], strides = [1, 1]} : vector<64x64xf32> to vector<64x1xf32>
    %broadcast_in_dim3A_917 = vector.shape_cast %slice3A_916 : vector<64x1xf32> to vector<64x1xf32>
    %broadcast_in_dim3A_918 = vector.broadcast %broadcast_in_dim3A_917 : vector<64x1xf32> to vector<64x256xf32>
    %mul3A_919 = arith.mulf %broadcast_in_dim3A_20, %broadcast_in_dim3A_912 : vector<64x256xf32>
    %select_n3A_920 = arith.select %eq3A_23, %broadcast_in_dim3A_915, %broadcast_in_dim3A_918 : vector<64x256xi1>, vector<64x256xf32>
    %add3A_921 = arith.addf %mul3A_919, %select_n3A_920 : vector<64x256xf32>
    %swap3A_922 = arith.constant 49 : index
    %swap3A_923 = arith.constant 0 : index
    %swap3A_924 = arith.constant 0 : index
    %swap3A_925 = vector.load %arg7[%swap3A_922, %swap3A_923, %swap3A_924] : memref<64x64x256xf32, #tpu.memory_space<vmem>>, vector<1x64x256xf32>
    %swap3A_926 = vector.shape_cast %swap3A_925 : vector<1x64x256xf32> to vector<64x256xf32>
    %swap3A_927 = vector.shape_cast %add3A_921 : vector<64x256xf32> to vector<1x64x256xf32>
    tpu.vector_store %arg7[%swap3A_922, %swap3A_923, %swap3A_924], %swap3A_927 {strides = array<i32>} : memref<64x64x256xf32, #tpu.memory_space<vmem>>, vector<1x64x256xf32>,
    %slice3A_928 = vector.extract_strided_slice %get3A_26 {offsets = [50, 0], sizes = [1, 256], strides = [1, 1]} : vector<64x256xf32> to vector<1x256xf32>
    %broadcast_in_dim3A_929 = vector.shape_cast %slice3A_928 : vector<1x256xf32> to vector<1x256xf32>
    %broadcast_in_dim3A_930 = vector.broadcast %broadcast_in_dim3A_929 : vector<1x256xf32> to vector<64x256xf32>
    %slice3A_931 = vector.extract_strided_slice %get3A_29 {offsets = [50, 0], sizes = [1, 256], strides = [1, 1]} : vector<64x256xf32> to vector<1x256xf32>
    %broadcast_in_dim3A_932 = vector.shape_cast %slice3A_931 : vector<1x256xf32> to vector<1x256xf32>
    %broadcast_in_dim3A_933 = vector.broadcast %broadcast_in_dim3A_932 : vector<1x256xf32> to vector<64x256xf32>
    %slice3A_934 = vector.extract_strided_slice %transpose3A_18 {offsets = [0, 50], sizes = [64, 1], strides = [1, 1]} : vector<64x64xf32> to vector<64x1xf32>
    %broadcast_in_dim3A_935 = vector.shape_cast %slice3A_934 : vector<64x1xf32> to vector<64x1xf32>
    %broadcast_in_dim3A_936 = vector.broadcast %broadcast_in_dim3A_935 : vector<64x1xf32> to vector<64x256xf32>
    %mul3A_937 = arith.mulf %broadcast_in_dim3A_20, %broadcast_in_dim3A_930 : vector<64x256xf32>
    %select_n3A_938 = arith.select %eq3A_23, %broadcast_in_dim3A_933, %broadcast_in_dim3A_936 : vector<64x256xi1>, vector<64x256xf32>
    %add3A_939 = arith.addf %mul3A_937, %select_n3A_938 : vector<64x256xf32>
    %swap3A_940 = arith.constant 50 : index
    %swap3A_941 = arith.constant 0 : index
    %swap3A_942 = arith.constant 0 : index
    %swap3A_943 = vector.load %arg7[%swap3A_940, %swap3A_941, %swap3A_942] : memref<64x64x256xf32, #tpu.memory_space<vmem>>, vector<1x64x256xf32>
    %swap3A_944 = vector.shape_cast %swap3A_943 : vector<1x64x256xf32> to vector<64x256xf32>
    %swap3A_945 = vector.shape_cast %add3A_939 : vector<64x256xf32> to vector<1x64x256xf32>
    tpu.vector_store %arg7[%swap3A_940, %swap3A_941, %swap3A_942], %swap3A_945 {strides = array<i32>} : memref<64x64x256xf32, #tpu.memory_space<vmem>>, vector<1x64x256xf32>,
    %slice3A_946 = vector.extract_strided_slice %get3A_26 {offsets = [51, 0], sizes = [1, 256], strides = [1, 1]} : vector<64x256xf32> to vector<1x256xf32>
    %broadcast_in_dim3A_947 = vector.shape_cast %slice3A_946 : vector<1x256xf32> to vector<1x256xf32>
    %broadcast_in_dim3A_948 = vector.broadcast %broadcast_in_dim3A_947 : vector<1x256xf32> to vector<64x256xf32>
    %slice3A_949 = vector.extract_strided_slice %get3A_29 {offsets = [51, 0], sizes = [1, 256], strides = [1, 1]} : vector<64x256xf32> to vector<1x256xf32>
    %broadcast_in_dim3A_950 = vector.shape_cast %slice3A_949 : vector<1x256xf32> to vector<1x256xf32>
    %broadcast_in_dim3A_951 = vector.broadcast %broadcast_in_dim3A_950 : vector<1x256xf32> to vector<64x256xf32>
    %slice3A_952 = vector.extract_strided_slice %transpose3A_18 {offsets = [0, 51], sizes = [64, 1], strides = [1, 1]} : vector<64x64xf32> to vector<64x1xf32>
    %broadcast_in_dim3A_953 = vector.shape_cast %slice3A_952 : vector<64x1xf32> to vector<64x1xf32>
    %broadcast_in_dim3A_954 = vector.broadcast %broadcast_in_dim3A_953 : vector<64x1xf32> to vector<64x256xf32>
    %mul3A_955 = arith.mulf %broadcast_in_dim3A_20, %broadcast_in_dim3A_948 : vector<64x256xf32>
    %select_n3A_956 = arith.select %eq3A_23, %broadcast_in_dim3A_951, %broadcast_in_dim3A_954 : vector<64x256xi1>, vector<64x256xf32>
    %add3A_957 = arith.addf %mul3A_955, %select_n3A_956 : vector<64x256xf32>
    %swap3A_958 = arith.constant 51 : index
    %swap3A_959 = arith.constant 0 : index
    %swap3A_960 = arith.constant 0 : index
    %swap3A_961 = vector.load %arg7[%swap3A_958, %swap3A_959, %swap3A_960] : memref<64x64x256xf32, #tpu.memory_space<vmem>>, vector<1x64x256xf32>
    %swap3A_962 = vector.shape_cast %swap3A_961 : vector<1x64x256xf32> to vector<64x256xf32>
    %swap3A_963 = vector.shape_cast %add3A_957 : vector<64x256xf32> to vector<1x64x256xf32>
    tpu.vector_store %arg7[%swap3A_958, %swap3A_959, %swap3A_960], %swap3A_963 {strides = array<i32>} : memref<64x64x256xf32, #tpu.memory_space<vmem>>, vector<1x64x256xf32>,
    %slice3A_964 = vector.extract_strided_slice %get3A_26 {offsets = [52, 0], sizes = [1, 256], strides = [1, 1]} : vector<64x256xf32> to vector<1x256xf32>
    %broadcast_in_dim3A_965 = vector.shape_cast %slice3A_964 : vector<1x256xf32> to vector<1x256xf32>
    %broadcast_in_dim3A_966 = vector.broadcast %broadcast_in_dim3A_965 : vector<1x256xf32> to vector<64x256xf32>
    %slice3A_967 = vector.extract_strided_slice %get3A_29 {offsets = [52, 0], sizes = [1, 256], strides = [1, 1]} : vector<64x256xf32> to vector<1x256xf32>
    %broadcast_in_dim3A_968 = vector.shape_cast %slice3A_967 : vector<1x256xf32> to vector<1x256xf32>
    %broadcast_in_dim3A_969 = vector.broadcast %broadcast_in_dim3A_968 : vector<1x256xf32> to vector<64x256xf32>
    %slice3A_970 = vector.extract_strided_slice %transpose3A_18 {offsets = [0, 52], sizes = [64, 1], strides = [1, 1]} : vector<64x64xf32> to vector<64x1xf32>
    %broadcast_in_dim3A_971 = vector.shape_cast %slice3A_970 : vector<64x1xf32> to vector<64x1xf32>
    %broadcast_in_dim3A_972 = vector.broadcast %broadcast_in_dim3A_971 : vector<64x1xf32> to vector<64x256xf32>
    %mul3A_973 = arith.mulf %broadcast_in_dim3A_20, %broadcast_in_dim3A_966 : vector<64x256xf32>
    %select_n3A_974 = arith.select %eq3A_23, %broadcast_in_dim3A_969, %broadcast_in_dim3A_972 : vector<64x256xi1>, vector<64x256xf32>
    %add3A_975 = arith.addf %mul3A_973, %select_n3A_974 : vector<64x256xf32>
    %swap3A_976 = arith.constant 52 : index
    %swap3A_977 = arith.constant 0 : index
    %swap3A_978 = arith.constant 0 : index
    %swap3A_979 = vector.load %arg7[%swap3A_976, %swap3A_977, %swap3A_978] : memref<64x64x256xf32, #tpu.memory_space<vmem>>, vector<1x64x256xf32>
    %swap3A_980 = vector.shape_cast %swap3A_979 : vector<1x64x256xf32> to vector<64x256xf32>
    %swap3A_981 = vector.shape_cast %add3A_975 : vector<64x256xf32> to vector<1x64x256xf32>
    tpu.vector_store %arg7[%swap3A_976, %swap3A_977, %swap3A_978], %swap3A_981 {strides = array<i32>} : memref<64x64x256xf32, #tpu.memory_space<vmem>>, vector<1x64x256xf32>,
    %slice3A_982 = vector.extract_strided_slice %get3A_26 {offsets = [53, 0], sizes = [1, 256], strides = [1, 1]} : vector<64x256xf32> to vector<1x256xf32>
    %broadcast_in_dim3A_983 = vector.shape_cast %slice3A_982 : vector<1x256xf32> to vector<1x256xf32>
    %broadcast_in_dim3A_984 = vector.broadcast %broadcast_in_dim3A_983 : vector<1x256xf32> to vector<64x256xf32>
    %slice3A_985 = vector.extract_strided_slice %get3A_29 {offsets = [53, 0], sizes = [1, 256], strides = [1, 1]} : vector<64x256xf32> to vector<1x256xf32>
    %broadcast_in_dim3A_986 = vector.shape_cast %slice3A_985 : vector<1x256xf32> to vector<1x256xf32>
    %broadcast_in_dim3A_987 = vector.broadcast %broadcast_in_dim3A_986 : vector<1x256xf32> to vector<64x256xf32>
    %slice3A_988 = vector.extract_strided_slice %transpose3A_18 {offsets = [0, 53], sizes = [64, 1], strides = [1, 1]} : vector<64x64xf32> to vector<64x1xf32>
    %broadcast_in_dim3A_989 = vector.shape_cast %slice3A_988 : vector<64x1xf32> to vector<64x1xf32>
    %broadcast_in_dim3A_990 = vector.broadcast %broadcast_in_dim3A_989 : vector<64x1xf32> to vector<64x256xf32>
    %mul3A_991 = arith.mulf %broadcast_in_dim3A_20, %broadcast_in_dim3A_984 : vector<64x256xf32>
    %select_n3A_992 = arith.select %eq3A_23, %broadcast_in_dim3A_987, %broadcast_in_dim3A_990 : vector<64x256xi1>, vector<64x256xf32>
    %add3A_993 = arith.addf %mul3A_991, %select_n3A_992 : vector<64x256xf32>
    %swap3A_994 = arith.constant 53 : index
    %swap3A_995 = arith.constant 0 : index
    %swap3A_996 = arith.constant 0 : index
    %swap3A_997 = vector.load %arg7[%swap3A_994, %swap3A_995, %swap3A_996] : memref<64x64x256xf32, #tpu.memory_space<vmem>>, vector<1x64x256xf32>
    %swap3A_998 = vector.shape_cast %swap3A_997 : vector<1x64x256xf32> to vector<64x256xf32>
    %swap3A_999 = vector.shape_cast %add3A_993 : vector<64x256xf32> to vector<1x64x256xf32>
    tpu.vector_store %arg7[%swap3A_994, %swap3A_995, %swap3A_996], %swap3A_999 {strides = array<i32>} : memref<64x64x256xf32, #tpu.memory_space<vmem>>, vector<1x64x256xf32>,
    %slice3A_1000 = vector.extract_strided_slice %get3A_26 {offsets = [54, 0], sizes = [1, 256], strides = [1, 1]} : vector<64x256xf32> to vector<1x256xf32>
    %broadcast_in_dim3A_1001 = vector.shape_cast %slice3A_1000 : vector<1x256xf32> to vector<1x256xf32>
    %broadcast_in_dim3A_1002 = vector.broadcast %broadcast_in_dim3A_1001 : vector<1x256xf32> to vector<64x256xf32>
    %slice3A_1003 = vector.extract_strided_slice %get3A_29 {offsets = [54, 0], sizes = [1, 256], strides = [1, 1]} : vector<64x256xf32> to vector<1x256xf32>
    %broadcast_in_dim3A_1004 = vector.shape_cast %slice3A_1003 : vector<1x256xf32> to vector<1x256xf32>
    %broadcast_in_dim3A_1005 = vector.broadcast %broadcast_in_dim3A_1004 : vector<1x256xf32> to vector<64x256xf32>
    %slice3A_1006 = vector.extract_strided_slice %transpose3A_18 {offsets = [0, 54], sizes = [64, 1], strides = [1, 1]} : vector<64x64xf32> to vector<64x1xf32>
    %broadcast_in_dim3A_1007 = vector.shape_cast %slice3A_1006 : vector<64x1xf32> to vector<64x1xf32>
    %broadcast_in_dim3A_1008 = vector.broadcast %broadcast_in_dim3A_1007 : vector<64x1xf32> to vector<64x256xf32>
    %mul3A_1009 = arith.mulf %broadcast_in_dim3A_20, %broadcast_in_dim3A_1002 : vector<64x256xf32>
    %select_n3A_1010 = arith.select %eq3A_23, %broadcast_in_dim3A_1005, %broadcast_in_dim3A_1008 : vector<64x256xi1>, vector<64x256xf32>
    %add3A_1011 = arith.addf %mul3A_1009, %select_n3A_1010 : vector<64x256xf32>
    %swap3A_1012 = arith.constant 54 : index
    %swap3A_1013 = arith.constant 0 : index
    %swap3A_1014 = arith.constant 0 : index
    %swap3A_1015 = vector.load %arg7[%swap3A_1012, %swap3A_1013, %swap3A_1014] : memref<64x64x256xf32, #tpu.memory_space<vmem>>, vector<1x64x256xf32>
    %swap3A_1016 = vector.shape_cast %swap3A_1015 : vector<1x64x256xf32> to vector<64x256xf32>
    %swap3A_1017 = vector.shape_cast %add3A_1011 : vector<64x256xf32> to vector<1x64x256xf32>
    tpu.vector_store %arg7[%swap3A_1012, %swap3A_1013, %swap3A_1014], %swap3A_1017 {strides = array<i32>} : memref<64x64x256xf32, #tpu.memory_space<vmem>>, vector<1x64x256xf32>,
    %slice3A_1018 = vector.extract_strided_slice %get3A_26 {offsets = [55, 0], sizes = [1, 256], strides = [1, 1]} : vector<64x256xf32> to vector<1x256xf32>
    %broadcast_in_dim3A_1019 = vector.shape_cast %slice3A_1018 : vector<1x256xf32> to vector<1x256xf32>
    %broadcast_in_dim3A_1020 = vector.broadcast %broadcast_in_dim3A_1019 : vector<1x256xf32> to vector<64x256xf32>
    %slice3A_1021 = vector.extract_strided_slice %get3A_29 {offsets = [55, 0], sizes = [1, 256], strides = [1, 1]} : vector<64x256xf32> to vector<1x256xf32>
    %broadcast_in_dim3A_1022 = vector.shape_cast %slice3A_1021 : vector<1x256xf32> to vector<1x256xf32>
    %broadcast_in_dim3A_1023 = vector.broadcast %broadcast_in_dim3A_1022 : vector<1x256xf32> to vector<64x256xf32>
    %slice3A_1024 = vector.extract_strided_slice %transpose3A_18 {offsets = [0, 55], sizes = [64, 1], strides = [1, 1]} : vector<64x64xf32> to vector<64x1xf32>
    %broadcast_in_dim3A_1025 = vector.shape_cast %slice3A_1024 : vector<64x1xf32> to vector<64x1xf32>
    %broadcast_in_dim3A_1026 = vector.broadcast %broadcast_in_dim3A_1025 : vector<64x1xf32> to vector<64x256xf32>
    %mul3A_1027 = arith.mulf %broadcast_in_dim3A_20, %broadcast_in_dim3A_1020 : vector<64x256xf32>
    %select_n3A_1028 = arith.select %eq3A_23, %broadcast_in_dim3A_1023, %broadcast_in_dim3A_1026 : vector<64x256xi1>, vector<64x256xf32>
    %add3A_1029 = arith.addf %mul3A_1027, %select_n3A_1028 : vector<64x256xf32>
    %swap3A_1030 = arith.constant 55 : index
    %swap3A_1031 = arith.constant 0 : index
    %swap3A_1032 = arith.constant 0 : index
    %swap3A_1033 = vector.load %arg7[%swap3A_1030, %swap3A_1031, %swap3A_1032] : memref<64x64x256xf32, #tpu.memory_space<vmem>>, vector<1x64x256xf32>
    %swap3A_1034 = vector.shape_cast %swap3A_1033 : vector<1x64x256xf32> to vector<64x256xf32>
    %swap3A_1035 = vector.shape_cast %add3A_1029 : vector<64x256xf32> to vector<1x64x256xf32>
    tpu.vector_store %arg7[%swap3A_1030, %swap3A_1031, %swap3A_1032], %swap3A_1035 {strides = array<i32>} : memref<64x64x256xf32, #tpu.memory_space<vmem>>, vector<1x64x256xf32>,
    %slice3A_1036 = vector.extract_strided_slice %get3A_26 {offsets = [56, 0], sizes = [1, 256], strides = [1, 1]} : vector<64x256xf32> to vector<1x256xf32>
    %broadcast_in_dim3A_1037 = vector.shape_cast %slice3A_1036 : vector<1x256xf32> to vector<1x256xf32>
    %broadcast_in_dim3A_1038 = vector.broadcast %broadcast_in_dim3A_1037 : vector<1x256xf32> to vector<64x256xf32>
    %slice3A_1039 = vector.extract_strided_slice %get3A_29 {offsets = [56, 0], sizes = [1, 256], strides = [1, 1]} : vector<64x256xf32> to vector<1x256xf32>
    %broadcast_in_dim3A_1040 = vector.shape_cast %slice3A_1039 : vector<1x256xf32> to vector<1x256xf32>
    %broadcast_in_dim3A_1041 = vector.broadcast %broadcast_in_dim3A_1040 : vector<1x256xf32> to vector<64x256xf32>
    %slice3A_1042 = vector.extract_strided_slice %transpose3A_18 {offsets = [0, 56], sizes = [64, 1], strides = [1, 1]} : vector<64x64xf32> to vector<64x1xf32>
    %broadcast_in_dim3A_1043 = vector.shape_cast %slice3A_1042 : vector<64x1xf32> to vector<64x1xf32>
    %broadcast_in_dim3A_1044 = vector.broadcast %broadcast_in_dim3A_1043 : vector<64x1xf32> to vector<64x256xf32>
    %mul3A_1045 = arith.mulf %broadcast_in_dim3A_20, %broadcast_in_dim3A_1038 : vector<64x256xf32>
    %select_n3A_1046 = arith.select %eq3A_23, %broadcast_in_dim3A_1041, %broadcast_in_dim3A_1044 : vector<64x256xi1>, vector<64x256xf32>
    %add3A_1047 = arith.addf %mul3A_1045, %select_n3A_1046 : vector<64x256xf32>
    %swap3A_1048 = arith.constant 56 : index
    %swap3A_1049 = arith.constant 0 : index
    %swap3A_1050 = arith.constant 0 : index
    %swap3A_1051 = vector.load %arg7[%swap3A_1048, %swap3A_1049, %swap3A_1050] : memref<64x64x256xf32, #tpu.memory_space<vmem>>, vector<1x64x256xf32>
    %swap3A_1052 = vector.shape_cast %swap3A_1051 : vector<1x64x256xf32> to vector<64x256xf32>
    %swap3A_1053 = vector.shape_cast %add3A_1047 : vector<64x256xf32> to vector<1x64x256xf32>
    tpu.vector_store %arg7[%swap3A_1048, %swap3A_1049, %swap3A_1050], %swap3A_1053 {strides = array<i32>} : memref<64x64x256xf32, #tpu.memory_space<vmem>>, vector<1x64x256xf32>,
    %slice3A_1054 = vector.extract_strided_slice %get3A_26 {offsets = [57, 0], sizes = [1, 256], strides = [1, 1]} : vector<64x256xf32> to vector<1x256xf32>
    %broadcast_in_dim3A_1055 = vector.shape_cast %slice3A_1054 : vector<1x256xf32> to vector<1x256xf32>
    %broadcast_in_dim3A_1056 = vector.broadcast %broadcast_in_dim3A_1055 : vector<1x256xf32> to vector<64x256xf32>
    %slice3A_1057 = vector.extract_strided_slice %get3A_29 {offsets = [57, 0], sizes = [1, 256], strides = [1, 1]} : vector<64x256xf32> to vector<1x256xf32>
    %broadcast_in_dim3A_1058 = vector.shape_cast %slice3A_1057 : vector<1x256xf32> to vector<1x256xf32>
    %broadcast_in_dim3A_1059 = vector.broadcast %broadcast_in_dim3A_1058 : vector<1x256xf32> to vector<64x256xf32>
    %slice3A_1060 = vector.extract_strided_slice %transpose3A_18 {offsets = [0, 57], sizes = [64, 1], strides = [1, 1]} : vector<64x64xf32> to vector<64x1xf32>
    %broadcast_in_dim3A_1061 = vector.shape_cast %slice3A_1060 : vector<64x1xf32> to vector<64x1xf32>
    %broadcast_in_dim3A_1062 = vector.broadcast %broadcast_in_dim3A_1061 : vector<64x1xf32> to vector<64x256xf32>
    %mul3A_1063 = arith.mulf %broadcast_in_dim3A_20, %broadcast_in_dim3A_1056 : vector<64x256xf32>
    %select_n3A_1064 = arith.select %eq3A_23, %broadcast_in_dim3A_1059, %broadcast_in_dim3A_1062 : vector<64x256xi1>, vector<64x256xf32>
    %add3A_1065 = arith.addf %mul3A_1063, %select_n3A_1064 : vector<64x256xf32>
    %swap3A_1066 = arith.constant 57 : index
    %swap3A_1067 = arith.constant 0 : index
    %swap3A_1068 = arith.constant 0 : index
    %swap3A_1069 = vector.load %arg7[%swap3A_1066, %swap3A_1067, %swap3A_1068] : memref<64x64x256xf32, #tpu.memory_space<vmem>>, vector<1x64x256xf32>
    %swap3A_1070 = vector.shape_cast %swap3A_1069 : vector<1x64x256xf32> to vector<64x256xf32>
    %swap3A_1071 = vector.shape_cast %add3A_1065 : vector<64x256xf32> to vector<1x64x256xf32>
    tpu.vector_store %arg7[%swap3A_1066, %swap3A_1067, %swap3A_1068], %swap3A_1071 {strides = array<i32>} : memref<64x64x256xf32, #tpu.memory_space<vmem>>, vector<1x64x256xf32>,
    %slice3A_1072 = vector.extract_strided_slice %get3A_26 {offsets = [58, 0], sizes = [1, 256], strides = [1, 1]} : vector<64x256xf32> to vector<1x256xf32>
    %broadcast_in_dim3A_1073 = vector.shape_cast %slice3A_1072 : vector<1x256xf32> to vector<1x256xf32>
    %broadcast_in_dim3A_1074 = vector.broadcast %broadcast_in_dim3A_1073 : vector<1x256xf32> to vector<64x256xf32>
    %slice3A_1075 = vector.extract_strided_slice %get3A_29 {offsets = [58, 0], sizes = [1, 256], strides = [1, 1]} : vector<64x256xf32> to vector<1x256xf32>
    %broadcast_in_dim3A_1076 = vector.shape_cast %slice3A_1075 : vector<1x256xf32> to vector<1x256xf32>
    %broadcast_in_dim3A_1077 = vector.broadcast %broadcast_in_dim3A_1076 : vector<1x256xf32> to vector<64x256xf32>
    %slice3A_1078 = vector.extract_strided_slice %transpose3A_18 {offsets = [0, 58], sizes = [64, 1], strides = [1, 1]} : vector<64x64xf32> to vector<64x1xf32>
    %broadcast_in_dim3A_1079 = vector.shape_cast %slice3A_1078 : vector<64x1xf32> to vector<64x1xf32>
    %broadcast_in_dim3A_1080 = vector.broadcast %broadcast_in_dim3A_1079 : vector<64x1xf32> to vector<64x256xf32>
    %mul3A_1081 = arith.mulf %broadcast_in_dim3A_20, %broadcast_in_dim3A_1074 : vector<64x256xf32>
    %select_n3A_1082 = arith.select %eq3A_23, %broadcast_in_dim3A_1077, %broadcast_in_dim3A_1080 : vector<64x256xi1>, vector<64x256xf32>
    %add3A_1083 = arith.addf %mul3A_1081, %select_n3A_1082 : vector<64x256xf32>
    %swap3A_1084 = arith.constant 58 : index
    %swap3A_1085 = arith.constant 0 : index
    %swap3A_1086 = arith.constant 0 : index
    %swap3A_1087 = vector.load %arg7[%swap3A_1084, %swap3A_1085, %swap3A_1086] : memref<64x64x256xf32, #tpu.memory_space<vmem>>, vector<1x64x256xf32>
    %swap3A_1088 = vector.shape_cast %swap3A_1087 : vector<1x64x256xf32> to vector<64x256xf32>
    %swap3A_1089 = vector.shape_cast %add3A_1083 : vector<64x256xf32> to vector<1x64x256xf32>
    tpu.vector_store %arg7[%swap3A_1084, %swap3A_1085, %swap3A_1086], %swap3A_1089 {strides = array<i32>} : memref<64x64x256xf32, #tpu.memory_space<vmem>>, vector<1x64x256xf32>,
    %slice3A_1090 = vector.extract_strided_slice %get3A_26 {offsets = [59, 0], sizes = [1, 256], strides = [1, 1]} : vector<64x256xf32> to vector<1x256xf32>
    %broadcast_in_dim3A_1091 = vector.shape_cast %slice3A_1090 : vector<1x256xf32> to vector<1x256xf32>
    %broadcast_in_dim3A_1092 = vector.broadcast %broadcast_in_dim3A_1091 : vector<1x256xf32> to vector<64x256xf32>
    %slice3A_1093 = vector.extract_strided_slice %get3A_29 {offsets = [59, 0], sizes = [1, 256], strides = [1, 1]} : vector<64x256xf32> to vector<1x256xf32>
    %broadcast_in_dim3A_1094 = vector.shape_cast %slice3A_1093 : vector<1x256xf32> to vector<1x256xf32>
    %broadcast_in_dim3A_1095 = vector.broadcast %broadcast_in_dim3A_1094 : vector<1x256xf32> to vector<64x256xf32>
    %slice3A_1096 = vector.extract_strided_slice %transpose3A_18 {offsets = [0, 59], sizes = [64, 1], strides = [1, 1]} : vector<64x64xf32> to vector<64x1xf32>
    %broadcast_in_dim3A_1097 = vector.shape_cast %slice3A_1096 : vector<64x1xf32> to vector<64x1xf32>
    %broadcast_in_dim3A_1098 = vector.broadcast %broadcast_in_dim3A_1097 : vector<64x1xf32> to vector<64x256xf32>
    %mul3A_1099 = arith.mulf %broadcast_in_dim3A_20, %broadcast_in_dim3A_1092 : vector<64x256xf32>
    %select_n3A_1100 = arith.select %eq3A_23, %broadcast_in_dim3A_1095, %broadcast_in_dim3A_1098 : vector<64x256xi1>, vector<64x256xf32>
    %add3A_1101 = arith.addf %mul3A_1099, %select_n3A_1100 : vector<64x256xf32>
    %swap3A_1102 = arith.constant 59 : index
    %swap3A_1103 = arith.constant 0 : index
    %swap3A_1104 = arith.constant 0 : index
    %swap3A_1105 = vector.load %arg7[%swap3A_1102, %swap3A_1103, %swap3A_1104] : memref<64x64x256xf32, #tpu.memory_space<vmem>>, vector<1x64x256xf32>
    %swap3A_1106 = vector.shape_cast %swap3A_1105 : vector<1x64x256xf32> to vector<64x256xf32>
    %swap3A_1107 = vector.shape_cast %add3A_1101 : vector<64x256xf32> to vector<1x64x256xf32>
    tpu.vector_store %arg7[%swap3A_1102, %swap3A_1103, %swap3A_1104], %swap3A_1107 {strides = array<i32>} : memref<64x64x256xf32, #tpu.memory_space<vmem>>, vector<1x64x256xf32>,
    %slice3A_1108 = vector.extract_strided_slice %get3A_26 {offsets = [60, 0], sizes = [1, 256], strides = [1, 1]} : vector<64x256xf32> to vector<1x256xf32>
    %broadcast_in_dim3A_1109 = vector.shape_cast %slice3A_1108 : vector<1x256xf32> to vector<1x256xf32>
    %broadcast_in_dim3A_1110 = vector.broadcast %broadcast_in_dim3A_1109 : vector<1x256xf32> to vector<64x256xf32>
    %slice3A_1111 = vector.extract_strided_slice %get3A_29 {offsets = [60, 0], sizes = [1, 256], strides = [1, 1]} : vector<64x256xf32> to vector<1x256xf32>
    %broadcast_in_dim3A_1112 = vector.shape_cast %slice3A_1111 : vector<1x256xf32> to vector<1x256xf32>
    %broadcast_in_dim3A_1113 = vector.broadcast %broadcast_in_dim3A_1112 : vector<1x256xf32> to vector<64x256xf32>
    %slice3A_1114 = vector.extract_strided_slice %transpose3A_18 {offsets = [0, 60], sizes = [64, 1], strides = [1, 1]} : vector<64x64xf32> to vector<64x1xf32>
    %broadcast_in_dim3A_1115 = vector.shape_cast %slice3A_1114 : vector<64x1xf32> to vector<64x1xf32>
    %broadcast_in_dim3A_1116 = vector.broadcast %broadcast_in_dim3A_1115 : vector<64x1xf32> to vector<64x256xf32>
    %mul3A_1117 = arith.mulf %broadcast_in_dim3A_20, %broadcast_in_dim3A_1110 : vector<64x256xf32>
    %select_n3A_1118 = arith.select %eq3A_23, %broadcast_in_dim3A_1113, %broadcast_in_dim3A_1116 : vector<64x256xi1>, vector<64x256xf32>
    %add3A_1119 = arith.addf %mul3A_1117, %select_n3A_1118 : vector<64x256xf32>
    %swap3A_1120 = arith.constant 60 : index
    %swap3A_1121 = arith.constant 0 : index
    %swap3A_1122 = arith.constant 0 : index
    %swap3A_1123 = vector.load %arg7[%swap3A_1120, %swap3A_1121, %swap3A_1122] : memref<64x64x256xf32, #tpu.memory_space<vmem>>, vector<1x64x256xf32>
    %swap3A_1124 = vector.shape_cast %swap3A_1123 : vector<1x64x256xf32> to vector<64x256xf32>
    %swap3A_1125 = vector.shape_cast %add3A_1119 : vector<64x256xf32> to vector<1x64x256xf32>
    tpu.vector_store %arg7[%swap3A_1120, %swap3A_1121, %swap3A_1122], %swap3A_1125 {strides = array<i32>} : memref<64x64x256xf32, #tpu.memory_space<vmem>>, vector<1x64x256xf32>,
    %slice3A_1126 = vector.extract_strided_slice %get3A_26 {offsets = [61, 0], sizes = [1, 256], strides = [1, 1]} : vector<64x256xf32> to vector<1x256xf32>
    %broadcast_in_dim3A_1127 = vector.shape_cast %slice3A_1126 : vector<1x256xf32> to vector<1x256xf32>
    %broadcast_in_dim3A_1128 = vector.broadcast %broadcast_in_dim3A_1127 : vector<1x256xf32> to vector<64x256xf32>
    %slice3A_1129 = vector.extract_strided_slice %get3A_29 {offsets = [61, 0], sizes = [1, 256], strides = [1, 1]} : vector<64x256xf32> to vector<1x256xf32>
    %broadcast_in_dim3A_1130 = vector.shape_cast %slice3A_1129 : vector<1x256xf32> to vector<1x256xf32>
    %broadcast_in_dim3A_1131 = vector.broadcast %broadcast_in_dim3A_1130 : vector<1x256xf32> to vector<64x256xf32>
    %slice3A_1132 = vector.extract_strided_slice %transpose3A_18 {offsets = [0, 61], sizes = [64, 1], strides = [1, 1]} : vector<64x64xf32> to vector<64x1xf32>
    %broadcast_in_dim3A_1133 = vector.shape_cast %slice3A_1132 : vector<64x1xf32> to vector<64x1xf32>
    %broadcast_in_dim3A_1134 = vector.broadcast %broadcast_in_dim3A_1133 : vector<64x1xf32> to vector<64x256xf32>
    %mul3A_1135 = arith.mulf %broadcast_in_dim3A_20, %broadcast_in_dim3A_1128 : vector<64x256xf32>
    %select_n3A_1136 = arith.select %eq3A_23, %broadcast_in_dim3A_1131, %broadcast_in_dim3A_1134 : vector<64x256xi1>, vector<64x256xf32>
    %add3A_1137 = arith.addf %mul3A_1135, %select_n3A_1136 : vector<64x256xf32>
    %swap3A_1138 = arith.constant 61 : index
    %swap3A_1139 = arith.constant 0 : index
    %swap3A_1140 = arith.constant 0 : index
    %swap3A_1141 = vector.load %arg7[%swap3A_1138, %swap3A_1139, %swap3A_1140] : memref<64x64x256xf32, #tpu.memory_space<vmem>>, vector<1x64x256xf32>
    %swap3A_1142 = vector.shape_cast %swap3A_1141 : vector<1x64x256xf32> to vector<64x256xf32>
    %swap3A_1143 = vector.shape_cast %add3A_1137 : vector<64x256xf32> to vector<1x64x256xf32>
    tpu.vector_store %arg7[%swap3A_1138, %swap3A_1139, %swap3A_1140], %swap3A_1143 {strides = array<i32>} : memref<64x64x256xf32, #tpu.memory_space<vmem>>, vector<1x64x256xf32>,
    %slice3A_1144 = vector.extract_strided_slice %get3A_26 {offsets = [62, 0], sizes = [1, 256], strides = [1, 1]} : vector<64x256xf32> to vector<1x256xf32>
    %broadcast_in_dim3A_1145 = vector.shape_cast %slice3A_1144 : vector<1x256xf32> to vector<1x256xf32>
    %broadcast_in_dim3A_1146 = vector.broadcast %broadcast_in_dim3A_1145 : vector<1x256xf32> to vector<64x256xf32>
    %slice3A_1147 = vector.extract_strided_slice %get3A_29 {offsets = [62, 0], sizes = [1, 256], strides = [1, 1]} : vector<64x256xf32> to vector<1x256xf32>
    %broadcast_in_dim3A_1148 = vector.shape_cast %slice3A_1147 : vector<1x256xf32> to vector<1x256xf32>
    %broadcast_in_dim3A_1149 = vector.broadcast %broadcast_in_dim3A_1148 : vector<1x256xf32> to vector<64x256xf32>
    %slice3A_1150 = vector.extract_strided_slice %transpose3A_18 {offsets = [0, 62], sizes = [64, 1], strides = [1, 1]} : vector<64x64xf32> to vector<64x1xf32>
    %broadcast_in_dim3A_1151 = vector.shape_cast %slice3A_1150 : vector<64x1xf32> to vector<64x1xf32>
    %broadcast_in_dim3A_1152 = vector.broadcast %broadcast_in_dim3A_1151 : vector<64x1xf32> to vector<64x256xf32>
    %mul3A_1153 = arith.mulf %broadcast_in_dim3A_20, %broadcast_in_dim3A_1146 : vector<64x256xf32>
    %select_n3A_1154 = arith.select %eq3A_23, %broadcast_in_dim3A_1149, %broadcast_in_dim3A_1152 : vector<64x256xi1>, vector<64x256xf32>
    %add3A_1155 = arith.addf %mul3A_1153, %select_n3A_1154 : vector<64x256xf32>
    %swap3A_1156 = arith.constant 62 : index
    %swap3A_1157 = arith.constant 0 : index
    %swap3A_1158 = arith.constant 0 : index
    %swap3A_1159 = vector.load %arg7[%swap3A_1156, %swap3A_1157, %swap3A_1158] : memref<64x64x256xf32, #tpu.memory_space<vmem>>, vector<1x64x256xf32>
    %swap3A_1160 = vector.shape_cast %swap3A_1159 : vector<1x64x256xf32> to vector<64x256xf32>
    %swap3A_1161 = vector.shape_cast %add3A_1155 : vector<64x256xf32> to vector<1x64x256xf32>
    tpu.vector_store %arg7[%swap3A_1156, %swap3A_1157, %swap3A_1158], %swap3A_1161 {strides = array<i32>} : memref<64x64x256xf32, #tpu.memory_space<vmem>>, vector<1x64x256xf32>,
    %slice3A_1162 = vector.extract_strided_slice %get3A_26 {offsets = [63, 0], sizes = [1, 256], strides = [1, 1]} : vector<64x256xf32> to vector<1x256xf32>
    %broadcast_in_dim3A_1163 = vector.shape_cast %slice3A_1162 : vector<1x256xf32> to vector<1x256xf32>
    %broadcast_in_dim3A_1164 = vector.broadcast %broadcast_in_dim3A_1163 : vector<1x256xf32> to vector<64x256xf32>
    %slice3A_1165 = vector.extract_strided_slice %get3A_29 {offsets = [63, 0], sizes = [1, 256], strides = [1, 1]} : vector<64x256xf32> to vector<1x256xf32>
    %broadcast_in_dim3A_1166 = vector.shape_cast %slice3A_1165 : vector<1x256xf32> to vector<1x256xf32>
    %broadcast_in_dim3A_1167 = vector.broadcast %broadcast_in_dim3A_1166 : vector<1x256xf32> to vector<64x256xf32>
    %slice3A_1168 = vector.extract_strided_slice %transpose3A_18 {offsets = [0, 63], sizes = [64, 1], strides = [1, 1]} : vector<64x64xf32> to vector<64x1xf32>
    %broadcast_in_dim3A_1169 = vector.shape_cast %slice3A_1168 : vector<64x1xf32> to vector<64x1xf32>
    %broadcast_in_dim3A_1170 = vector.broadcast %broadcast_in_dim3A_1169 : vector<64x1xf32> to vector<64x256xf32>
    %mul3A_1171 = arith.mulf %broadcast_in_dim3A_20, %broadcast_in_dim3A_1164 : vector<64x256xf32>
    %select_n3A_1172 = arith.select %eq3A_23, %broadcast_in_dim3A_1167, %broadcast_in_dim3A_1170 : vector<64x256xi1>, vector<64x256xf32>
    %add3A_1173 = arith.addf %mul3A_1171, %select_n3A_1172 : vector<64x256xf32>
    %swap3A_1174 = arith.constant 63 : index
    %swap3A_1175 = arith.constant 0 : index
    %swap3A_1176 = arith.constant 0 : index
    %swap3A_1177 = vector.load %arg7[%swap3A_1174, %swap3A_1175, %swap3A_1176] : memref<64x64x256xf32, #tpu.memory_space<vmem>>, vector<1x64x256xf32>
    %swap3A_1178 = vector.shape_cast %swap3A_1177 : vector<1x64x256xf32> to vector<64x256xf32>
    %swap3A_1179 = vector.shape_cast %add3A_1173 : vector<64x256xf32> to vector<1x64x256xf32>
    tpu.vector_store %arg7[%swap3A_1174, %swap3A_1175, %swap3A_1176], %swap3A_1179 {strides = array<i32>} : memref<64x64x256xf32, #tpu.memory_space<vmem>>, vector<1x64x256xf32>,
    return
  }
  func.func @transform_0(%arg0: i32, %arg1: i32) -> (i32, i32) {
    %c0_i32 = arith.constant 0 : i32
    return %arg0, %arg1 : i32, i32
  }
  func.func @transform_1(%arg0: i32, %arg1: i32) -> (i32, i32) {
    %c0_i32 = arith.constant 0 : i32
    return %arg0, %arg1 : i32, i32
  }
  func.func @transform_2(%arg0: i32, %arg1: i32) -> (i32, i32) {
    %c0_i32 = arith.constant 0 : i32
    %c0_i32_0 = arith.constant 0 : i32
    return %arg0, %c0_i32 : i32, i32
  }
  func.func @transform_3(%arg0: i32, %arg1: i32) -> (i32, i32) {
    %c0_i32 = arith.constant 0 : i32
    %c0_i32_0 = arith.constant 0 : i32
    %c0_i32_1 = arith.constant 0 : i32
    return %c0_i32, %c0_i32_0 : i32, i32
  }
  func.func @transform_4(%arg0: i32, %arg1: i32) -> (i32, i32) {
    %c0_i32 = arith.constant 0 : i32
    %c0_i32_0 = arith.constant 0 : i32
    %c0_i32_1 = arith.constant 0 : i32
    return %c0_i32, %c0_i32_0 : i32, i32
  }
  func.func @transform_5(%arg0: i32, %arg1: i32) -> (i32, i32, i32) {
    %c0_i32 = arith.constant 0 : i32
    %c0_i32_0 = arith.constant 0 : i32
    return %arg0, %c0_i32, %arg1 : i32, i32, i32
  }
}

</mosaic_0001>

<sc_bundles>
// kernel: kernel.4.cloned.1.call-start
scs
__scs_entry_jumppad:
0x0: {  	(pc) =	sbr.rel $0x88, $3  }
0x1: {  	(tag) =	ssettag $0x0;
	lr =	simm.s32 $0x1  }
0x2: {  	[smem:$0x3F9C] =	sst lr;
	_ =	strace $0xD0000000  }
0x3: {  	_ = 	snop  }
0x4: {  	_ = 	snop  }
0x5: {  	_ = 	snop  }
0x6: {  	_ = 	snop  }
0x7: {  	_ = 	snop  }
__scs_overlays_trampoline_lowered:
0x8: {  	[smem:$0x3FAB] =	sst s0  }
0x9: {  	[smem:$0x3FAC] =	sst s1  }
0xa: {  	[smem:$0x3FAD] =	sst s2  }
0xb: {  	[smem:$0x3FAE] =	sst s3  }
0xc: {  	[smem:$0x3FAF] =	sst s4  }
0xd: {  	[smem:$0x3FB0] =	sst s5  }
0xe: {  	[smem:$0x3FB1] =	sst s6  }
0xf: {  	[smem:$0x3FB2] =	sst s7  }
0x10: {  	[smem:$0x3FB3] =	sst s8  }
0x11: {  	[smem:$0x3FB4] =	sst s9;
	s0 =	simm.s32 @!p0 $0x0  }
0x12: {  	s1 =	sld [smem:$0x3F9A];
	s0 =	simm.s32 @p0 $0x1  }
0x13: {  	[smem:$0x3FB5] =	sst s0;
	s0 =	simm.s32 @!p1 $0x0  }
0x14: {  	s2 =	sld [smem:$0x3F99];
	s0 =	simm.s32 @p1 $0x1  }
0x15: {  	[smem:$0x3FB6] =	sst s0;
	s0 =	simm.s32 @!p2 $0x0  }
0x16: {  	s3 =	sld [smem:$0x3FDB];
	s0 =	simm.s32 @p2 $0x1  }
0x17: {  	s4 =	simm.s32 $0x1BF5;
	[smem:$0x3FB8] =	sst s0  }
0x18: {  	s0 =	sld [smem:$0x3F9B];
	_ =	swait.ge [sflag:s4], $0x0  }
0x19: {  	s7 =	sld [smem:$0x3F9C]  }
0x1a: {  	s8 =	sadd.s32 $0xFFFFE003, lr  }
0x1b: {  	s9 =	sadd.s32 $0xFFFFFEF7, lr;
	s5 =	simm.s32 $0xFFFFFFFF;
	p2 =	slt.u32 s8, $0xFFFFF086  }
0x1c: {  	p1 =	slt.u32 s9, $0xF7A;
	s5 =	simm.s32 @!p2 $0x0  }
0x1d: {  	s5 =	simm.s32 @p1 $0x1;
	p0 =	seq.s32 s7, s2  }
0x1e: {  	s7 =	smul.u32 @!p0 $0xF7A, s2;
	p2 =	seq.s32 @!p0 s5, $0x0  }
0x1f: {  	s9 =	smul.u32 $0xF7A, s1;
	s8 =	simm.s32 @!p0 $0x1BF5;
	p2 =	por !p2, p0  }
0x20: {  	[sflag:s8] =	ssyncset.s32 @!p0 $0xFFFFF086;
	s6 =	sadd.s32 @!p0 s3, s7;
	s7 =	simm.s32 @!p0 $0x108  }
0x21: {  	s3 =	sadd.s32 s3, s9;
	s6 =	sadd.s32 @!p0 $0x88, s6;
	s7 =	simm.s32 @p2 $0x1082  }
0x22: {  	[simem:s7], [sflag:s8] =	dma.local @!p0 [hbm:s6], $0xF7A  }
0x23: {  	s9 =	sor.u32 $0xD0000000, s2;
	s6 =	simm.s32 $0x108;
	_ =	swait.ge @!p0 [sflag:s8], $0x0  }
0x24: {  	s3 =	sadd.s32 $0x88, s3;
	s6 =	simm.s32 @!p1 $0x1082;
	[sflag:s4] =	ssyncset.s32 $0xFFFFF086  }
0x25: {  	[simem:s6], [sflag:s4] =	dma.local [hbm:s3], $0xF7A  }
0x26: {  	[smem:$0x3F9C] =	sst s1;
	(tag) =	ssettag s2;
	_ =	strace s9  }
0x27: {  	s1 =	sld [smem:$0x3FAC]  }
0x28: {  	s2 =	sld [smem:$0x3FAD]  }
0x29: {  	s4 =	sld [smem:$0x3FAF]  }
0x2a: {  	p0 =	seq.s32 s5, $0x0;
	s5 =	sld [smem:$0x3FB0]  }
0x2b: {  	s6 =	sld [smem:$0x3FB1]  }
0x2c: {  	s7 =	sld [smem:$0x3FB2]  }
0x2d: {  	s3 =	simm.s32 $0x108;
	s8 =	sld [smem:$0x3FB3]  }
0x2e: {  	s3 =	simm.s32 @!p0 $0x1082;
	s9 =	sld [smem:$0x3FB4]  }
0x2f: {  	lr =	sadd.s32 s0, s3;
	s0 =	sld [smem:$0x3FAB]  }
0x30: {  	s3 =	sld [smem:$0x3FAE]  }
0x31: {  	[smem:$0x3FB7] =	sst s10  }
0x32: {  	s10 =	sld [smem:$0x3FB5];
	_ =	sdelay $0x3  }
0x33: {  	p0 =	seq.s32 s10, $0x1;
	s10 =	sld [smem:$0x3FB7];
	_ =	sdelay $0x3  }
0x34: {  	[smem:$0x3FB7] =	sst s10  }
0x35: {  	s10 =	sld [smem:$0x3FB6];
	_ =	sdelay $0x3  }
0x36: {  	p1 =	seq.s32 s10, $0x1;
	s10 =	sld [smem:$0x3FB7];
	_ =	sdelay $0x3  }
0x37: {  	[smem:$0x3FB7] =	sst s10  }
0x38: {  	s10 =	sld [smem:$0x3FB8]  }
0x39: {  	_ = 	snop;
	(pc) =	sbr.ind lr, $3  }
0x3a: {  	_ = 	snop  }
0x3b: {  	_ = 	snop  }
0x3c: {  	p2 =	seq.s32 s10, $0x1;
	s10 =	sld [smem:$0x3FB7]  }
0x3d: {  	_ =	shalt  }
0x3e: {  	_ =	shalt  }
0x3f: {  	_ =	shalt  }
0x40: {  	_ =	shalt  }
0x41: {  	_ =	shalt  }
0x42: {  	_ =	shalt  }
0x43: {  	_ =	shalt  }
0x44: {  	_ =	shalt  }
0x45: {  	_ =	shalt  }
0x46: {  	_ =	shalt  }
0x47: {  	_ =	shalt  }
0x48: {  	_ =	shalt  }
0x49: {  	_ =	shalt  }
0x4a: {  	_ =	shalt  }
0x4b: {  	_ =	shalt  }
0x4c: {  	_ =	shalt  }
0x4d: {  	_ =	shalt  }
0x4e: {  	_ =	shalt  }
0x4f: {  	_ =	shalt  }
0x50: {  	_ =	shalt  }
0x51: {  	_ =	shalt  }
0x52: {  	_ =	shalt  }
0x53: {  	_ =	shalt  }
0x54: {  	_ =	shalt  }
0x55: {  	_ =	shalt  }
0x56: {  	_ =	shalt  }
0x57: {  	_ =	shalt  }
0x58: {  	_ =	shalt  }
0x59: {  	_ =	shalt  }
0x5a: {  	_ =	shalt  }
0x5b: {  	_ =	shalt  }
0x5c: {  	_ =	shalt  }
0x5d: {  	_ =	shalt  }
0x5e: {  	_ =	shalt  }
0x5f: {  	_ =	shalt  }
0x60: {  	_ =	shalt  }
0x61: {  	_ =	shalt  }
0x62: {  	_ =	shalt  }
0x63: {  	_ =	shalt  }
0x64: {  	_ =	shalt  }
0x65: {  	_ =	shalt  }
0x66: {  	_ =	shalt  }
0x67: {  	_ =	shalt  }
0x68: {  	_ =	shalt  }
0x69: {  	_ =	shalt  }
0x6a: {  	_ =	shalt  }
0x6b: {  	_ =	shalt  }
0x6c: {  	_ =	shalt  }
0x6d: {  	_ =	shalt  }
0x6e: {  	_ =	shalt  }
0x6f: {  	_ =	shalt  }
0x70: {  	_ =	shalt  }
0x71: {  	_ =	shalt  }
0x72: {  	_ =	shalt  }
0x73: {  	_ =	shalt  }
0x74: {  	_ =	shalt  }
0x75: {  	_ =	shalt  }
0x76: {  	_ =	shalt  }
0x77: {  	_ =	shalt  }
0x78: {  	_ =	shalt  }
0x79: {  	_ =	shalt  }
0x7a: {  	_ =	shalt  }
0x7b: {  	_ =	shalt  }
0x7c: {  	_ =	shalt  }
0x7d: {  	_ =	shalt  }
0x7e: {  	_ =	shalt  }
0x7f: {  	_ =	shalt  }
0x80: {  	_ =	shalt  }
0x81: {  	_ =	shalt  }
0x82: {  	_ =	shalt  }
0x83: {  	_ =	shalt  }
0x84: {  	_ =	shalt  }
0x85: {  	_ =	shalt  }
0x86: {  	_ =	shalt  }
0x87: {  	_ =	shalt  }
.Lfunc_end0:
.L_simem_size_0:
called_computation_lowered:
.L_overlay_start_0:
0x88: {  	s2 =	sld [smem:$0x3FD9]  }
0x89: {  	s3 =	sld [smem:$0x3FFE];
	_ =	sdelay $0x1  }
0x8a: {  	s1 =	srdreg.scid  }
0x8b: {  	s0 =	sand.u32 $0x1, s1  }
0x8c: {  	s17 =	sshll.u32 s0, $0xA;
	s2 =	sadd.s32 s3, s2  }
0x8d: {  	s2 =	sadd.s32 s2, s17  }
0x8e: {  	[smem:$0x3FC3] =	sst s2  }
0x8f: {  	_ = 	snop  }
0x90: {  	s2 =	sld [smem:$0x3FD0];
	(tm) =	ssettm $0x1  }
0x91: {  	s18 =	sld [smem:$0x3FFB];
	_ =	sdelay $0x3  }
0x92: {  	_ =	strace s18  }
0x93: {  	s3 =	sld [smem:$0x3FFC];
	_ =	sdelay $0x3  }
0x94: {  	_ =	strace s3  }
0x95: {  	s3 =	sld [smem:$0x3FFD];
	_ =	sdelay $0x3  }
0x96: {  	_ =	strace s3  }
0x97: {  	_ =	strace $0x8FFFFFFF  }
0x98: {  	s19 =	sld [smem:$0x3FDB];
	_ =	sdelay $0x1  }
0x99: {  	s4 =	simm.s32 $_scs_section_size  }
0x9a: {  	s5 =	simm.s32 $_size__tile_overlayer_lowered;
	s6 =	simm.s32 $_tile_overlayer_lowered  }
0x9b: {  	s22 =	simm.s32 $0x1BFF;
	s21 =	sshll.u32 s6, $0x1;
	s3 =	sadd.s32 s4, s19  }
0x9c: {  	s7 =	simm.s32 $0x0;
	s20 =	sshll.u32 s5, $0x1;
	s5 =	sadd.s32 s21, s3  }
0x9d: {  	[timem:s7], [sflag:s22] =	dma.local [hbm:s5], s20  }
0x9e: {  	_ =	swait.ge [sflag:s22], s20  }
0x9f: {  	s4 =	ssub.s32 $0x0, s20;
	[sflag:s22] =	ssyncset.done $0x0  }
0xa0: {  	[sflag:s22] =	ssyncadd.s32 s4;
	_ =	sdelay $0x1  }
0xa1: {  	s23 =	simm.s32 $0x1B8B  }
0xa2: {  	_ =	swait.ge [sflag:s23], $0x1  }
0xa3: {  	[sflag:s23] =	ssyncset.done $0x0  }
0xa4: {  	s25 =	simm.s32 $0x1B8E;
	s24 =	sld [smem:$0x3FFE];
	[sflag:s23] =	ssyncadd.s32 $0xFFFFFFFF  }
0xa5: {  	s26 =	simm.s32 $execute0_lowered;
	[smem:$0x3FD2] =	sst s25  }
0xa6: {  	s5 =	sshll.u32 s26, $0x1;
	_ =	strace $0x80000046;
	[dreg:$0x1] =	wrdreg $0xFFFFFFFF  }
0xa7: {  	s28 =	simm.s32 $_size_execute0_lowered;
	s3 =	sadd.s32 s3, s5;
	[dreg:$0x0] =	wrdreg $0x0  }
0xa8: {  	s5 =	sshll.u32 s28, $0x1;
	[dreg:$0x2] =	wrdreg s3  }
0xa9: {  	[dreg:$0x3] =	wrdreg s5  }
0xaa: {  	[dreg:$0x4] =	wrdreg $0xC0  }
0xab: {  	_ =	task [dreg:s7], $0x5FFFF  }
0xac: {  	[dreg:$0x1] =	wrdreg $0xFFFFFFFF  }
0xad: {  	[dreg:$0x0] =	wrdreg $0x60  }
0xae: {  	[dreg:$0x2] =	wrdreg s24  }
0xaf: {  	[dreg:$0x3] =	wrdreg s2  }
0xb0: {  	[dreg:$0x4] =	wrdreg $0x9  }
0xb1: {  	_ =	task.clear_ibuf [dreg:s7], $0x5FFFF;
	_ =	strace $0x90000046  }
0xb2: {  	s29 =	simm.s32 $0x9;
	_ =	strace $0x80000048  }
0xb3: {  	_ =	swait.ge [sflag:s29], $0x1  }
0xb4: {  	[sflag:s29] =	ssyncadd.s32 $0xFFFFFFFF  }
0xb5: {  	_ =	strace $0x90000048  }
0xb6: {  	_ =	sfence  }
0xb7: {  	s30 =	sld [smem:$0x0];
	_ =	sdelay $0x2  }
0xb8: {  	s31 =	sshll.u32 s1, $0xD;
	s1 =	sshrl.u32 s1, $0x2  }
0xb9: {  	s3 =	sand.u32 $0x4000, s31;
	s1 =	sadd.s32 s1, s30  }
0xba: {  	s0 =	sor.u32 s3, s0;
	s1 =	sshll.u32 s1, $0x11  }
0xbb: {  	s0 =	sor.u32 s1, s0  }
0xbc: {  	s0 =	sadd.s32 $0x8F2B, s0  }
0xbd: {  	[sflag:s0] =	ssyncadd.remote.s32 $0x1  }
0xbe: {  	_ =	sfence.sel $0xFFFF  }
0xbf: {  	[dreg:$0x0] =	wrdreg $0xFFFFFFFF;
	(pc) =	sbr.abs _section_cstart, $3  }
0xc0: {  	[dreg:$0x1] =	wrdreg $0xFFFFFFFF  }
0xc1: {  	_ =	task.clear_ibuf [dreg:s7], $0x2FFFF;
	_ =	strace $0x9FFFFFFF  }
0xc2: {  	(tm) =	ssettm $0x7FFFFFFF  }
0xc3: {  	_ =	shalt  }
tec
execute0_lowered:
.L_overlay_start_1:
0x0: {  	(tag) =	ssettag $0x1  }
0x1: {  	s3 =	rddreg [dreg:$0x0];
	s1 =	srdreg.scid  }
0x2: {  	s0 =	stileid.u32;
	s5 =	rddreg [dreg:$0x1]  }
0x3: {  	s9 =	simm.s32 $0x8680;
	s4 =	sand.u32 $0x1, s1;
	s2 =	sshll.u32 s0, $0x1  }
0x4: {  	s10 =	simm.s32 $0x0;
	s1 =	rddreg [dreg:$0x2];
	s6 =	sor.u32 s4, s2  }
0x5: {  	s2 =	simm.s32 $0x0;
	s4 =	ssub.s32 $0x2, s4;
	s7 =	smul.u32 $0xC8, s6  }
0x6: {  	[smem:$0x7FF] =	sst s2;
	s8 =	sshrl.u32 s4, $0x1;
	s6 =	sshll.u32 s6, $0xC  }
0x7: {  	_ =	strace $0x80000047;
	s8 =	ssub.s32 s4, s8;
	s5 =	sadd.s32 s5, s6  }
0x8: {  	s7 =	sadd.s32 s7, s3;
	s6 =	smax.u32 s8, $0x1;
	s8 =	simm.s32 $0x1  }
0x9: {  	v0 =	vimm.f32 $0.0e+00;
	v1 =	vimm.f32 $1.000000000e+00;
	s3 =	sadd.s32 $0xC00, s7;
	s4 =	sadd.s32 $0x2600, s7;
	s7 =	simm.s32 $0x8000  }
.LBB2_1:
0xa: {  	[tilespmem:s7], [sflag:$0x1] =	stream.linear.gather [hbm4b:s3+s2], $0x640, $0x38;
	[tilespmem:$0x8D00] =	vst v63  }
0xb: {  	_ =	swait.ge [sflag:s8], $0x640  }
0xc: {  	[sflag:s8] =	ssyncset.done $0x0  }
0xd: {  	[sflag:s8] =	ssyncadd.s32 $0xFFFFF9C0  }
0xe: {  	[tilespmem:s9], [sflag:$0x1] =	stream.linear.gather [hbm4b:s4+s2], $0x640, $0x38;
	[tilespmem:$0x8D00] =	vst v63  }
0xf: {  	_ =	swait.ge [sflag:s8], $0x640  }
0x10: {  	[sflag:s8] =	ssyncset.done $0x0  }
0x11: {  	s11 =	simm.s32 $0x0;
	s12 =	simm.s32 $0x200;
	[sflag:s8] =	ssyncadd.s32 $0xFFFFF9C0  }
.LBB2_2:
0x12: {  	p0 =	sne.s32 s12, $0x1FE00;
	[tilespmem:s11+$0x70] =	vst v0  }
0x13: {  	[tilespmem:s11+$0x0] =	vst v0  }
0x14: {  	[tilespmem:s11+$0x10] =	vst v0  }
.Ltmp0:
0x15: {  	[tilespmem:s11+$0x20] =	vst v0;
	(pc) =	sbr.rel @p0 .LBB2_2-.Ltmp0, $4  }
0x16: {  	[tilespmem:s11+$0x30] =	vst v0  }
0x17: {  	[tilespmem:s11+$0x40] =	vst v0  }
0x18: {  	[tilespmem:s11+$0x50] =	vst v0  }
0x19: {  	[tilespmem:s11+$0x60] =	vst v0;
	s11 =	sshra.s32 s12, $0x2;
	s12 =	sadd.s32 $0x200, s12  }
0x1a: {  	[tilespmem:s11+$0x70] =	vst v0  }
0x1b: {  	[tilespmem:s11+$0x0] =	vst v0  }
0x1c: {  	[tilespmem:s11+$0x10] =	vst v0  }
0x1d: {  	[tilespmem:s11+$0x20] =	vst v0  }
0x1e: {  	[tilespmem:s11+$0x30] =	vst v0  }
0x1f: {  	[tilespmem:s11+$0x40] =	vst v0  }
0x20: {  	[tilespmem:s11+$0x50] =	vst v0  }
0x21: {  	[tilespmem:s11+$0x60] =	vst v0;
	s12 =	simm.s32 $0x0;
	s11 =	simm.s32 $0x40  }
.LBB2_4:
0x22: {  	p0 =	sne.s32 s11, $0x18C0;
	v2 =	vld [tilespmem:s12+$0x8000]  }
0x23: {  	v3 =	vld [tilespmem:s12+$0x8680];
	_ =	sdelay $0x3  }
0x24: {  	vm0 =	vne.s32 v2, $0x0  }
0x25: {  	v2 =	vadd.s32 v2, v3  }
.Ltmp1:
0x26: {  	(pc) =	sbr.rel @p0 .LBB2_4-.Ltmp1, $2  }
0x27: {  	_ =	sdelay $0x2  }
0x28: {  	s12 =	sshra.s32 s11, $0x2;
	s11 =	sadd.s32 $0x40, s11;
	[tilespmem:v2+s2+$0x0] =	vst.idx.msk vm0, v1  }
0x29: {  	v2 =	vld [tilespmem:s12+$0x8000]  }
0x2a: {  	v3 =	vld [tilespmem:s12+$0x8680];
	_ =	sdelay $0x3  }
0x2b: {  	vm0 =	vne.s32 v2, $0x0  }
0x2c: {  	v2 =	vadd.s32 v2, v3;
	_ =	sdelay $0x2  }
0x2d: {  	s10 =	sadd.s32 $0x1, s10  }
0x2e: {  	p0 =	sne.s32 s10, s6  }
.Ltmp2:
0x2f: {  	[tilespmem:v2+s2+$0x0] =	vst.idx.msk vm0, v1;
	(pc) =	sbr.rel @p0 .LBB2_1-.Ltmp2, $4  }
0x30: {  	[hbm4b:s5+s2] =	stream.linear.scatter [tilespmem:s2], [sflag:$0x1], $0x8000, $0x38;
	[tilespmem:$0x8D00] =	vst v63  }
0x31: {  	_ =	swait.ge [sflag:s8], $0x8000  }
0x32: {  	[sflag:s8] =	ssyncset.done $0x0  }
0x33: {  	[sflag:s8] =	ssyncadd.s32 $0xFFFF8000  }
0x34: {  	_ =	sfence.sel $0x180000  }
0x35: {  	[bflag:$0x0] =	sbarrier.arrive $0xFFFF  }
0x36: {  	p0 =	sne.s32 s0, $0x0;
	_ =	strace $0x90000047  }
0x37: {  	s0 =	sadd.s32 @!p0 $0x100000, s1;
	[bflag:$0x2] =	sbarrier.arrive $0xFFFF  }
0x38: {  	[sflag:s0] =	ssyncadd.tile.s32 @!p0 $0x1;
	_ =	shalt  }
.Lfunc_end2:
_tile_overlayer_lowered:
.L_overlay_start_2:
0x39: {  	(tag) =	ssettag $0x2  }
0x3a: {  	s0 =	rddreg [dreg:$0x0];
	s2 =	stileid.u32  }
0x3b: {  	s1 =	rddreg [dreg:$0x1];
	p0 =	sne.s32 s2, $0x0  }
0x3c: {  	s3 =	rddreg [dreg:$0x2];
	[bflag:$0x3] =	sbarrier.arrive $0xFFFF;
	s2 =	simm.s32 @!p0 $0x1C01  }
0x3d: {  	[timem:s3], [sflag:s2] =	dma.local @!p0 [hbm:s0], s1  }
0x3e: {  	s0 =	simm.s32 @!p0 $0x1  }
0x3f: {  	_ =	swait.ge @!p0 [sflag:s0], s1  }
0x40: {  	s1 =	ssub.s32 @!p0 $0x0, s1;
	[sflag:s0] =	ssyncset.done @!p0 $0x0  }
0x41: {  	[sflag:s0] =	ssyncadd.s32 @!p0 s1  }
0x42: {  	[bflag:$0x3] =	sbarrier.arrive $0xFFFF  }
0x43: {  	_ =	shalt  }

</sc_bundles>
